<compile_context>
chip_gen: v7x
topology: tpu7x:2x2x1
jax: 0.10.2.dev20260603
libtpu: 0.0.44.dev20260713+nightly
codegen_flags: <defaults>
</compile_context>

<pallas_src>
import jax
import jax.numpy as jnp
from jax import lax
from jax.experimental import pallas as pl
from jax.experimental.pallas import tpu as pltpu
from jax.experimental.pallas import tpu_sc as plsc

N = 100000
D = 128
C = 10
S = 2048
S_PAD = 2064

NC = 2
NS = 16
L = 16
NW = NC * NS

BLK = 125
BLK_PAD = 128
NBLK = N // (NW * BLK)
ROWS_W = BLK * NBLK
ZR = S // NS


def _sc_body(x_hbm, bidx_hbm, partial_hbm, cnt_hbm,
             acc, xb0, xb1, ib0, ib1, cnt,
             sf0, sf1, si0, si1, ss0, ss1):
    cid = lax.axis_index("c")
    sid = lax.axis_index("s")
    wid = cid * NS + sid

    iota = lax.iota(jnp.int32, L)
    zeros = jnp.zeros((L,), jnp.float32)
    ones = jnp.ones((L,), jnp.float32)
    lane0 = iota == 0

    xbufs = (xb0, xb1)
    ibufs = (ib0, ib1)
    fsems = (sf0, sf1)
    isems = (si0, si1)
    ssems = (ss0, ss1)

    def fill(it, d):
        row0 = wid * ROWS_W + it * BLK
        pltpu.async_copy(
            x_hbm.at[pl.ds(row0, BLK), :], xbufs[d].at[pl.ds(0, BLK), :],
            fsems[d])
        pltpu.async_copy(bidx_hbm.at[wid * NBLK + it, :], ibufs[d], isems[d])

    def wait_fill(d):
        pltpu.make_async_copy(
            x_hbm.at[pl.ds(0, BLK), :], xbufs[d].at[pl.ds(0, BLK), :],
            fsems[d]).wait()
        pltpu.make_async_copy(bidx_hbm.at[0, :], ibufs[d], isems[d]).wait()

    def scatter_start(d):
        pltpu.async_copy(xbufs[d], acc.at[ibufs[d]], ssems[d], add=True)

    def wait_scatter(d):
        pltpu.make_async_copy(xbufs[d], acc.at[ibufs[d]], ssems[d]).wait()

    def count_block(d):
        ib = ibufs[d]

        @pl.loop(0, BLK_PAD // L)
        def _(g):
            bv = ib[pl.ds(g * L, L)]
            for i in range(L):
                seg = bv.at[jnp.full((L,), i, jnp.int32)].get(
                    mode="promise_in_bounds")
                plsc.addupdate_scatter(cnt, [seg], ones, mask=lane0)

    @pl.loop(0, ZR)
    def _(i):
        for j in range(D // L):
            xb0[i, pl.ds(j * L, L)] = zeros

    @pl.loop(0, S_PAD // L)
    def _(i):
        cnt[pl.ds(i * L, L)] = zeros

    pltpu.sync_copy(xb0, acc.at[pl.ds(sid * ZR, ZR), :])

    @pl.when(sid == 0)
    def _():
        pltpu.sync_copy(xb0.at[pl.ds(0, S_PAD - S), :],
                        acc.at[pl.ds(S, S_PAD - S), :])

    plsc.subcore_barrier()

    @pl.loop(0, NBLK)
    def _(it):
        row0 = wid * ROWS_W + it * BLK
        pltpu.sync_copy(x_hbm.at[pl.ds(row0, BLK), :],
                        xb0.at[pl.ds(0, BLK), :])
        pltpu.sync_copy(bidx_hbm.at[wid * NBLK + it, :], ib0)
        pltpu.sync_copy(xb0, acc.at[ib0], add=True)
        count_block(0)

    plsc.subcore_barrier()

    pltpu.sync_copy(acc.at[pl.ds(sid * ZR, ZR), :],
                    partial_hbm.at[cid, pl.ds(sid * ZR, ZR), :])
    pltpu.sync_copy(cnt.at[pl.ds(0, S)], cnt_hbm.at[wid])


@jax.jit
def _sc_segment_sum(x, bidx):
    mesh = plsc.VectorSubcoreMesh(core_axis_name="c", subcore_axis_name="s")
    return pl.kernel(
        _sc_body,
        out_type=[
            jax.ShapeDtypeStruct((NC, S, D), jnp.float32),
            jax.ShapeDtypeStruct((NW, S), jnp.float32),
        ],
        mesh=mesh,
        compiler_params=pltpu.CompilerParams(use_tc_tiling_on_sc=False,
                                             needs_layout_passes=False),
        scratch_types=[
            pltpu.VMEM_SHARED((S_PAD, D), jnp.float32),
            pltpu.VMEM((BLK_PAD, D), jnp.float32),
            pltpu.VMEM((BLK_PAD, D), jnp.float32),
            pltpu.VMEM((BLK_PAD,), jnp.int32),
            pltpu.VMEM((BLK_PAD,), jnp.int32),
            pltpu.VMEM((S_PAD,), jnp.float32),
            pltpu.SemaphoreType.DMA,
            pltpu.SemaphoreType.DMA,
            pltpu.SemaphoreType.DMA,
            pltpu.SemaphoreType.DMA,
            pltpu.SemaphoreType.DMA,
            pltpu.SemaphoreType.DMA,
        ],
    )(x, bidx)


TCB = 256


def _tc_body(p_ref, cnt_ref, w_ref, b_ref, o_ref):
    p = p_ref[0] + p_ref[1]
    counts = jnp.sum(cnt_ref[...], axis=0)
    o_ref[...] = (jnp.dot(p, w_ref[...], preferred_element_type=jnp.float32)
                  + counts[:, None] * b_ref[...])


@jax.jit
def _tc_head(partial, counts, W, b2):
    return pl.pallas_call(
        _tc_body,
        grid=(S // TCB,),
        in_specs=[
            pl.BlockSpec((NC, TCB, D), lambda i: (0, i, 0)),
            pl.BlockSpec((NW, TCB), lambda i: (0, i)),
            pl.BlockSpec((D, C), lambda i: (0, 0)),
            pl.BlockSpec((1, C), lambda i: (0, 0)),
        ],
        out_specs=pl.BlockSpec((TCB, C), lambda i: (i, 0)),
        out_shape=jax.ShapeDtypeStruct((S, C), jnp.float32),
    )(partial, counts, W, b2)


def kernel(x, batch, W, b):
    batch_i = batch.astype(jnp.int32)
    bidx = jnp.full((NW * NBLK, BLK_PAD), S, jnp.int32)
    bidx = bidx.at[:, :BLK].set(batch_i.reshape(NW * NBLK, BLK))
    partial, counts = _sc_segment_sum(x, bidx)
    return _tc_head(partial, counts, W, b.reshape(1, C))

# --- scband reference (transcript-rebuilt; emitter-appended) ---
"""Pipeline reference for scband-graph-multiclass-classification-output-head-9363028705432 (READ-ONLY COPY).

The authoritative reference and input builder live on the scoring server;
editing this copy changes nothing except your own understanding.
"""

import jax, jax.numpy as jnp
import numpy as np

N = 100000   # total atoms across molecules in batch (GRAPH n_nodes)
D = 128      # emb_size_atom (GRAPH d_feat)
C = 10       # num_classes
S = 2048     # n_molecules (number of segments)


def setup_inputs(seed: int = 0) -> dict:
    key = jax.random.key(seed)
    k1, k2, k3 = jax.random.split(key, 3)
    x = jax.random.normal(k1, (N, D), dtype=jnp.float32)
    batch = jnp.sort(jax.random.randint(k2, (N,), 0, S, dtype=jnp.int64))
    # out_mlp with num_mlps=1 -> single Linear(D, C)
    W = (jax.random.normal(k3, (D, C), dtype=jnp.float32) / np.sqrt(D)).astype(jnp.float32)
    b = jnp.zeros((C,), dtype=jnp.float32)
    return {"x": x, "batch": batch, "W": W, "b": b}


def reference(x, batch, W, b):
    # dropout is None (p=0.0) -> identity in eval
    # out_mlp: layer sizes [emb_size_atom]*num_mlps + [num_classes] = [128, 10]
    logits = x @ W + b                       # [N, C]
    # scatter(x, data.batch, dim=0, dim_size=n_molecules, reduce='sum')
    out = jax.ops.segment_sum(logits, batch, num_segments=S)  # [S, C]
    return out

if __name__ == "__main__":
    import jax
    _d = setup_inputs()
    print(jax.jit(kernel)(*tuple(_d.values())))

</pallas_src>

<mosaic_0001>
#map = affine_map<(d0, d1) -> (0, 0)>
#map1 = affine_map<(d0, d1) -> (0, 0, 0)>
module attributes {stable_mosaic.version = 14 : i64} {
  func.func @_sc_body(%arg0: i32, %arg1: i32, %arg2: memref<100000x128xf32, #tpu.memory_space<hbm>>, %arg3: memref<800x128xi32, #tpu.memory_space<hbm>>, %arg4: memref<2x2048x128xf32, #tpu.memory_space<hbm>>, %arg5: memref<32x2048xf32, #tpu.memory_space<hbm>>, %arg6: memref<2064x128xf32, #tpu.memory_space<vmem_shared>>, %arg7: memref<128x128xf32, #tpu.memory_space<vmem>>, %arg8: memref<128x128xf32, #tpu.memory_space<vmem>>, %arg9: memref<128xi32, #tpu.memory_space<vmem>>, %arg10: memref<128xi32, #tpu.memory_space<vmem>>, %arg11: memref<2064xf32, #tpu.memory_space<vmem>>, %arg12: memref<!tpu.dma_semaphore, #tpu.memory_space<semaphore_mem>>, %arg13: memref<!tpu.dma_semaphore, #tpu.memory_space<semaphore_mem>>, %arg14: memref<!tpu.dma_semaphore, #tpu.memory_space<semaphore_mem>>, %arg15: memref<!tpu.dma_semaphore, #tpu.memory_space<semaphore_mem>>, %arg16: memref<!tpu.dma_semaphore, #tpu.memory_space<semaphore_mem>>, %arg17: memref<!tpu.dma_semaphore, #tpu.memory_space<semaphore_mem>>) attributes {dimension_semantics = [#tpu.dimension_semantics<core_parallel>, #tpu.dimension_semantics<subcore_parallel>], iteration_bounds = array<i64: 2, 16>, scalar_prefetch = 0 : i64, scratch_operands = 12 : i64, tpu.core_type = #tpu.core_type<sc_vector_subcore>, window_params = [{transform_indices = #map}, {transform_indices = #map}, {transform_indices = #map1}, {transform_indices = #map}]} {
    %mul3A = arith.constant 16 : i32
    %mul3A_0 = arith.muli %arg0, %mul3A : i32
    %add3A = arith.addi %mul3A_0, %arg1 : i32
    %iota3A = tpu.iota {dimensions = array<i32: 0>} : vector<16xi32>
    %broadcast_in_dim3A = arith.constant 0.000000e+00 : f32
    %broadcast_in_dim3A_1 = vector.broadcast %broadcast_in_dim3A : f32 to vector<16xf32>
    %broadcast_in_dim3A_2 = arith.constant 1.000000e+00 : f32
    %broadcast_in_dim3A_3 = vector.broadcast %broadcast_in_dim3A_2 : f32 to vector<16xf32>
    %eq3A = arith.constant 0 : i32
    %eq3A_4 = vector.broadcast %eq3A : i32 to vector<16xi32>
    %eq3A_5 = arith.cmpi eq, %iota3A, %eq3A_4 : vector<16xi32>
    %scan3A = arith.constant 0 : i32
    %scan3A_6 = arith.constant 128 : i32
    %scan3A_7 = arith.addi %scan3A, %scan3A_6 : i32
    %scan3A_8 = arith.constant 1 : i32
    scf.for %scan3A_30 = %scan3A to %scan3A_7 step %scan3A_8  : i32 {
      %mul3A_31 = arith.constant 1 : i32
      %mul3A_32 = arith.muli %scan3A_30, %mul3A_31 : i32
      %add3A_33 = arith.constant 0 : i32
      %add3A_34 = arith.addi %add3A_33, %mul3A_32 : i32
      %swap3A = arith.index_cast %add3A_34 : i32 to index
      %swap3A_35 = arith.constant 0 : index
      %swap3A_36 = tpu.vector_load %arg7[%swap3A, %swap3A_35] {strides = array<i32>} : memref<128x128xf32, #tpu.memory_space<vmem>>, vector<16xf32>,
      tpu.vector_store %arg7[%swap3A, %swap3A_35], %broadcast_in_dim3A_1 {strides = array<i32>} : memref<128x128xf32, #tpu.memory_space<vmem>>, vector<16xf32>,
      %swap3A_37 = arith.index_cast %add3A_34 : i32 to index
      %swap3A_38 = arith.constant 16 : index
      %swap3A_39 = tpu.vector_load %arg7[%swap3A_37, %swap3A_38] {strides = array<i32>} : memref<128x128xf32, #tpu.memory_space<vmem>>, vector<16xf32>,
      tpu.vector_store %arg7[%swap3A_37, %swap3A_38], %broadcast_in_dim3A_1 {strides = array<i32>} : memref<128x128xf32, #tpu.memory_space<vmem>>, vector<16xf32>,
      %swap3A_40 = arith.index_cast %add3A_34 : i32 to index
      %swap3A_41 = arith.constant 32 : index
      %swap3A_42 = tpu.vector_load %arg7[%swap3A_40, %swap3A_41] {strides = array<i32>} : memref<128x128xf32, #tpu.memory_space<vmem>>, vector<16xf32>,
      tpu.vector_store %arg7[%swap3A_40, %swap3A_41], %broadcast_in_dim3A_1 {strides = array<i32>} : memref<128x128xf32, #tpu.memory_space<vmem>>, vector<16xf32>,
      %swap3A_43 = arith.index_cast %add3A_34 : i32 to index
      %swap3A_44 = arith.constant 48 : index
      %swap3A_45 = tpu.vector_load %arg7[%swap3A_43, %swap3A_44] {strides = array<i32>} : memref<128x128xf32, #tpu.memory_space<vmem>>, vector<16xf32>,
      tpu.vector_store %arg7[%swap3A_43, %swap3A_44], %broadcast_in_dim3A_1 {strides = array<i32>} : memref<128x128xf32, #tpu.memory_space<vmem>>, vector<16xf32>,
      %swap3A_46 = arith.index_cast %add3A_34 : i32 to index
      %swap3A_47 = arith.constant 64 : index
      %swap3A_48 = tpu.vector_load %arg7[%swap3A_46, %swap3A_47] {strides = array<i32>} : memref<128x128xf32, #tpu.memory_space<vmem>>, vector<16xf32>,
      tpu.vector_store %arg7[%swap3A_46, %swap3A_47], %broadcast_in_dim3A_1 {strides = array<i32>} : memref<128x128xf32, #tpu.memory_space<vmem>>, vector<16xf32>,
      %swap3A_49 = arith.index_cast %add3A_34 : i32 to index
      %swap3A_50 = arith.constant 80 : index
      %swap3A_51 = tpu.vector_load %arg7[%swap3A_49, %swap3A_50] {strides = array<i32>} : memref<128x128xf32, #tpu.memory_space<vmem>>, vector<16xf32>,
      tpu.vector_store %arg7[%swap3A_49, %swap3A_50], %broadcast_in_dim3A_1 {strides = array<i32>} : memref<128x128xf32, #tpu.memory_space<vmem>>, vector<16xf32>,
      %swap3A_52 = arith.index_cast %add3A_34 : i32 to index
      %swap3A_53 = arith.constant 96 : index
      %swap3A_54 = tpu.vector_load %arg7[%swap3A_52, %swap3A_53] {strides = array<i32>} : memref<128x128xf32, #tpu.memory_space<vmem>>, vector<16xf32>,
      tpu.vector_store %arg7[%swap3A_52, %swap3A_53], %broadcast_in_dim3A_1 {strides = array<i32>} : memref<128x128xf32, #tpu.memory_space<vmem>>, vector<16xf32>,
      %swap3A_55 = arith.index_cast %add3A_34 : i32 to index
      %swap3A_56 = arith.constant 112 : index
      %swap3A_57 = tpu.vector_load %arg7[%swap3A_55, %swap3A_56] {strides = array<i32>} : memref<128x128xf32, #tpu.memory_space<vmem>>, vector<16xf32>,
      tpu.vector_store %arg7[%swap3A_55, %swap3A_56], %broadcast_in_dim3A_1 {strides = array<i32>} : memref<128x128xf32, #tpu.memory_space<vmem>>, vector<16xf32>,
    }
    %scan3A_9 = arith.constant 128 : i32
    %scan3A_10 = arith.constant 0 : i32
    %scan3A_11 = arith.constant 129 : i32
    %scan3A_12 = arith.addi %scan3A_10, %scan3A_11 : i32
    %scan3A_13 = arith.constant 1 : i32
    scf.for %scan3A_30 = %scan3A_10 to %scan3A_12 step %scan3A_13  : i32 {
      %mul3A_31 = arith.constant 1 : i32
      %mul3A_32 = arith.muli %scan3A_30, %mul3A_31 : i32
      %add3A_33 = arith.constant 0 : i32
      %add3A_34 = arith.addi %add3A_33, %mul3A_32 : i32
      %mul3A_35 = arith.constant 16 : i32
      %mul3A_36 = arith.muli %add3A_34, %mul3A_35 : i32
      %swap3A = arith.index_cast %mul3A_36 : i32 to index
      %swap3A_37 = tpu.vector_load %arg11[%swap3A] {strides = array<i32>} : memref<2064xf32, #tpu.memory_space<vmem>>, vector<16xf32>,
      tpu.vector_store %arg11[%swap3A], %broadcast_in_dim3A_1 {strides = array<i32>} : memref<2064xf32, #tpu.memory_space<vmem>>, vector<16xf32>,
    }
    %scan3A_14 = arith.constant 129 : i32
    %mul3A_15 = arith.constant 128 : i32
    %mul3A_16 = arith.muli %arg1, %mul3A_15 : i32
    "tpu.region"() ({
      %run_scoped3A = tpu.sem_alloc : memref<!tpu.dma_semaphore, #tpu.memory_space<semaphore_mem>>
      %dma_start3A = arith.constant 0 : i32
      %dma_start3A_30 = tpu.memref_slice %arg6[%mul3A_16, %dma_start3A] : memref<2064x128xf32, #tpu.memory_space<vmem_shared>> -> memref<128x128xf32, #tpu.memory_space<vmem_shared>>
      %dma_start3A_31 = arith.constant 0 : i32
      %dma_start3A_32 = tpu.memref_slice %arg6[%mul3A_16, %dma_start3A_31] : memref<2064x128xf32, #tpu.memory_space<vmem_shared>> -> memref<128x128xf32, #tpu.memory_space<vmem_shared>>
      tpu.enqueue_dma source(%arg7 : memref<128x128xf32, #tpu.memory_space<vmem>>) target(%dma_start3A_32 : memref<128x128xf32, #tpu.memory_space<vmem_shared>>) target_semaphore(%run_scoped3A : memref<!tpu.dma_semaphore, #tpu.memory_space<semaphore_mem>>)
      %dma_wait3A = arith.constant 0 : i32
      %dma_wait3A_33 = tpu.memref_slice %arg6[%mul3A_16, %dma_wait3A] : memref<2064x128xf32, #tpu.memory_space<vmem_shared>> -> memref<128x128xf32, #tpu.memory_space<vmem_shared>>
      %dma_wait3A_34 = arith.constant 0 : i32
      %dma_wait3A_35 = tpu.memref_slice %arg6[%mul3A_16, %dma_wait3A_34] : memref<2064x128xf32, #tpu.memory_space<vmem_shared>> -> memref<128x128xf32, #tpu.memory_space<vmem_shared>>
      tpu.wait_dma2 semaphore(%run_scoped3A : memref<!tpu.dma_semaphore, #tpu.memory_space<semaphore_mem>>) src(%arg7 : memref<128x128xf32, #tpu.memory_space<vmem>>) dst(%dma_wait3A_35 : memref<128x128xf32, #tpu.memory_space<vmem_shared>>)
      tpu.yield
    }) : () -> ()
    %eq3A_17 = arith.constant 0 : i32
    %eq3A_18 = arith.cmpi eq, %arg1, %eq3A_17 : i32
    %convert_element_type3A = arith.extui %eq3A_18 : i1 to i32
    %cond3A = arith.constant 0 : i32
    %cond3A_19 = arith.cmpi ne, %convert_element_type3A, %cond3A : i32
    scf.if %cond3A_19 {
      "tpu.region"() ({
        %run_scoped3A = tpu.sem_alloc : memref<!tpu.dma_semaphore, #tpu.memory_space<semaphore_mem>>
        %dma_start3A = arith.constant 0 : i32
        %dma_start3A_30 = arith.constant 0 : i32
        %dma_start3A_31 = tpu.memref_slice %arg7[%dma_start3A, %dma_start3A_30] : memref<128x128xf32, #tpu.memory_space<vmem>> -> memref<16x128xf32, #tpu.memory_space<vmem>>
        %dma_start3A_32 = arith.constant 2048 : i32
        %dma_start3A_33 = arith.constant 0 : i32
        %dma_start3A_34 = tpu.memref_slice %arg6[%dma_start3A_32, %dma_start3A_33] : memref<2064x128xf32, #tpu.memory_space<vmem_shared>> -> memref<16x128xf32, #tpu.memory_space<vmem_shared>>
        %dma_start3A_35 = arith.constant 2048 : i32
        %dma_start3A_36 = arith.constant 0 : i32
        %dma_start3A_37 = tpu.memref_slice %arg6[%dma_start3A_35, %dma_start3A_36] : memref<2064x128xf32, #tpu.memory_space<vmem_shared>> -> memref<16x128xf32, #tpu.memory_space<vmem_shared>>
        %dma_start3A_38 = arith.constant 0 : i32
        %dma_start3A_39 = arith.constant 0 : i32
        %dma_start3A_40 = tpu.memref_slice %arg7[%dma_start3A_38, %dma_start3A_39] : memref<128x128xf32, #tpu.memory_space<vmem>> -> memref<16x128xf32, #tpu.memory_space<vmem>>
        tpu.enqueue_dma source(%dma_start3A_40 : memref<16x128xf32, #tpu.memory_space<vmem>>) target(%dma_start3A_37 : memref<16x128xf32, #tpu.memory_space<vmem_shared>>) target_semaphore(%run_scoped3A : memref<!tpu.dma_semaphore, #tpu.memory_space<semaphore_mem>>)
        %dma_wait3A = arith.constant 0 : i32
        %dma_wait3A_41 = arith.constant 0 : i32
        %dma_wait3A_42 = tpu.memref_slice %arg7[%dma_wait3A, %dma_wait3A_41] : memref<128x128xf32, #tpu.memory_space<vmem>> -> memref<16x128xf32, #tpu.memory_space<vmem>>
        %dma_wait3A_43 = arith.constant 2048 : i32
        %dma_wait3A_44 = arith.constant 0 : i32
        %dma_wait3A_45 = tpu.memref_slice %arg6[%dma_wait3A_43, %dma_wait3A_44] : memref<2064x128xf32, #tpu.memory_space<vmem_shared>> -> memref<16x128xf32, #tpu.memory_space<vmem_shared>>
        %dma_wait3A_46 = arith.constant 2048 : i32
        %dma_wait3A_47 = arith.constant 0 : i32
        %dma_wait3A_48 = tpu.memref_slice %arg6[%dma_wait3A_46, %dma_wait3A_47] : memref<2064x128xf32, #tpu.memory_space<vmem_shared>> -> memref<16x128xf32, #tpu.memory_space<vmem_shared>>
        %dma_wait3A_49 = arith.constant 0 : i32
        %dma_wait3A_50 = arith.constant 0 : i32
        %dma_wait3A_51 = tpu.memref_slice %arg7[%dma_wait3A_49, %dma_wait3A_50] : memref<128x128xf32, #tpu.memory_space<vmem>> -> memref<16x128xf32, #tpu.memory_space<vmem>>
        tpu.wait_dma2 semaphore(%run_scoped3A : memref<!tpu.dma_semaphore, #tpu.memory_space<semaphore_mem>>) src(%dma_wait3A_51 : memref<16x128xf32, #tpu.memory_space<vmem>>) dst(%dma_wait3A_48 : memref<16x128xf32, #tpu.memory_space<vmem_shared>>)
        tpu.yield
      }) : () -> ()
    } else {
    }
    %barrier3A = arith.constant 0 : index
    tpu.barrier barrier_id(%barrier3A)
    %scan3A_20 = arith.constant 0 : i32
    %scan3A_21 = arith.constant 25 : i32
    %scan3A_22 = arith.addi %scan3A_20, %scan3A_21 : i32
    %scan3A_23 = arith.constant 1 : i32
    scf.for %scan3A_30 = %scan3A_20 to %scan3A_22 step %scan3A_23  : i32 {
      %mul3A_31 = arith.constant 1 : i32
      %mul3A_32 = arith.muli %scan3A_30, %mul3A_31 : i32
      %add3A_33 = arith.constant 0 : i32
      %add3A_34 = arith.addi %add3A_33, %mul3A_32 : i32
      %mul3A_35 = arith.constant 3125 : i32
      %mul3A_36 = arith.muli %add3A, %mul3A_35 : i32
      %mul3A_37 = arith.constant 125 : i32
      %mul3A_38 = arith.muli %add3A_34, %mul3A_37 : i32
      %add3A_39 = arith.addi %mul3A_36, %mul3A_38 : i32
      "tpu.region"() ({
        %run_scoped3A = tpu.sem_alloc : memref<!tpu.dma_semaphore, #tpu.memory_space<semaphore_mem>>
        %dma_start3A = arith.constant 0 : i32
        %dma_start3A_48 = arith.constant 0 : i32
        %dma_start3A_49 = tpu.memref_slice %arg7[%dma_start3A, %dma_start3A_48] : memref<128x128xf32, #tpu.memory_space<vmem>> -> memref<125x128xf32, #tpu.memory_space<vmem>>
        %dma_start3A_50 = arith.constant 0 : i32
        %dma_start3A_51 = tpu.memref_slice %arg2[%add3A_39, %dma_start3A_50] : memref<100000x128xf32, #tpu.memory_space<hbm>> -> memref<125x128xf32, #tpu.memory_space<hbm>>
        %dma_start3A_52 = arith.constant 0 : i32
        %dma_start3A_53 = arith.constant 0 : i32
        %dma_start3A_54 = tpu.memref_slice %arg7[%dma_start3A_52, %dma_start3A_53] : memref<128x128xf32, #tpu.memory_space<vmem>> -> memref<125x128xf32, #tpu.memory_space<vmem>>
        %dma_start3A_55 = arith.constant 0 : i32
        %dma_start3A_56 = tpu.memref_slice %arg2[%add3A_39, %dma_start3A_55] : memref<100000x128xf32, #tpu.memory_space<hbm>> -> memref<125x128xf32, #tpu.memory_space<hbm>>
        tpu.enqueue_dma source(%dma_start3A_56 : memref<125x128xf32, #tpu.memory_space<hbm>>) target(%dma_start3A_54 : memref<125x128xf32, #tpu.memory_space<vmem>>) target_semaphore(%run_scoped3A : memref<!tpu.dma_semaphore, #tpu.memory_space<semaphore_mem>>)
        %dma_wait3A = arith.constant 0 : i32
        %dma_wait3A_57 = arith.constant 0 : i32
        %dma_wait3A_58 = tpu.memref_slice %arg7[%dma_wait3A, %dma_wait3A_57] : memref<128x128xf32, #tpu.memory_space<vmem>> -> memref<125x128xf32, #tpu.memory_space<vmem>>
        %dma_wait3A_59 = arith.constant 0 : i32
        %dma_wait3A_60 = tpu.memref_slice %arg2[%add3A_39, %dma_wait3A_59] : memref<100000x128xf32, #tpu.memory_space<hbm>> -> memref<125x128xf32, #tpu.memory_space<hbm>>
        %dma_wait3A_61 = arith.constant 0 : i32
        %dma_wait3A_62 = arith.constant 0 : i32
        %dma_wait3A_63 = tpu.memref_slice %arg7[%dma_wait3A_61, %dma_wait3A_62] : memref<128x128xf32, #tpu.memory_space<vmem>> -> memref<125x128xf32, #tpu.memory_space<vmem>>
        %dma_wait3A_64 = arith.constant 0 : i32
        %dma_wait3A_65 = tpu.memref_slice %arg2[%add3A_39, %dma_wait3A_64] : memref<100000x128xf32, #tpu.memory_space<hbm>> -> memref<125x128xf32, #tpu.memory_space<hbm>>
        tpu.wait_dma2 semaphore(%run_scoped3A : memref<!tpu.dma_semaphore, #tpu.memory_space<semaphore_mem>>) src(%dma_wait3A_65 : memref<125x128xf32, #tpu.memory_space<hbm>>) dst(%dma_wait3A_63 : memref<125x128xf32, #tpu.memory_space<vmem>>)
        tpu.yield
      }) : () -> ()
      %mul3A_40 = arith.constant 25 : i32
      %mul3A_41 = arith.muli %add3A, %mul3A_40 : i32
      %add3A_42 = arith.addi %mul3A_41, %add3A_34 : i32
      "tpu.region"() ({
        %run_scoped3A = tpu.sem_alloc : memref<!tpu.dma_semaphore, #tpu.memory_space<semaphore_mem>>
        %dma_start3A = arith.constant 0 : i32
        %dma_start3A_48 = tpu.memref_slice %arg3[%add3A_42, %dma_start3A] : memref<800x128xi32, #tpu.memory_space<hbm>> -> memref<1x128xi32, #tpu.memory_space<hbm>>
        %dma_start3A_49 = tpu.memref_squeeze %dma_start3A_48 : memref<1x128xi32, #tpu.memory_space<hbm>> -> memref<128xi32, #tpu.memory_space<hbm>>
        %dma_start3A_50 = arith.constant 0 : i32
        %dma_start3A_51 = tpu.memref_slice %arg3[%add3A_42, %dma_start3A_50] : memref<800x128xi32, #tpu.memory_space<hbm>> -> memref<1x128xi32, #tpu.memory_space<hbm>>
        %dma_start3A_52 = tpu.memref_squeeze %dma_start3A_51 : memref<1x128xi32, #tpu.memory_space<hbm>> -> memref<128xi32, #tpu.memory_space<hbm>>
        tpu.enqueue_dma source(%dma_start3A_52 : memref<128xi32, #tpu.memory_space<hbm>>) target(%arg9 : memref<128xi32, #tpu.memory_space<vmem>>) target_semaphore(%run_scoped3A : memref<!tpu.dma_semaphore, #tpu.memory_space<semaphore_mem>>)
        %dma_wait3A = arith.constant 0 : i32
        %dma_wait3A_53 = tpu.memref_slice %arg3[%add3A_42, %dma_wait3A] : memref<800x128xi32, #tpu.memory_space<hbm>> -> memref<1x128xi32, #tpu.memory_space<hbm>>
        %dma_wait3A_54 = tpu.memref_squeeze %dma_wait3A_53 : memref<1x128xi32, #tpu.memory_space<hbm>> -> memref<128xi32, #tpu.memory_space<hbm>>
        %dma_wait3A_55 = arith.constant 0 : i32
        %dma_wait3A_56 = tpu.memref_slice %arg3[%add3A_42, %dma_wait3A_55] : memref<800x128xi32, #tpu.memory_space<hbm>> -> memref<1x128xi32, #tpu.memory_space<hbm>>
        %dma_wait3A_57 = tpu.memref_squeeze %dma_wait3A_56 : memref<1x128xi32, #tpu.memory_space<hbm>> -> memref<128xi32, #tpu.memory_space<hbm>>
        tpu.wait_dma2 semaphore(%run_scoped3A : memref<!tpu.dma_semaphore, #tpu.memory_space<semaphore_mem>>) src(%dma_wait3A_57 : memref<128xi32, #tpu.memory_space<hbm>>) dst(%arg9 : memref<128xi32, #tpu.memory_space<vmem>>)
        tpu.yield
      }) : () -> ()
      "tpu.region"() ({
        %run_scoped3A = tpu.sem_alloc : memref<!tpu.dma_semaphore, #tpu.memory_space<semaphore_mem>>
        %dma_start3A = arith.constant 0 : i32
        %dma_start3A_48 = arith.constant 0 : i32
        %dma_start3A_49 = tpu.memref_slice %arg6[%dma_start3A, %dma_start3A_48] : memref<2064x128xf32, #tpu.memory_space<vmem_shared>> -> memref<2064x128xf32, #tpu.memory_space<vmem_shared>>
        tpu.enqueue_indirect_dma source(%arg7 : memref<128x128xf32, #tpu.memory_space<vmem>>) target(%dma_start3A_49 : memref<2064x128xf32, #tpu.memory_space<vmem_shared>>) offsets(%arg9 : memref<128xi32, #tpu.memory_space<vmem>>) semaphore(%run_scoped3A : memref<!tpu.dma_semaphore, #tpu.memory_space<semaphore_mem>>) {add = true}
        %dma_wait3A = arith.constant 0 : i32
        %dma_wait3A_50 = arith.constant 0 : i32
        %dma_wait3A_51 = tpu.memref_slice %arg6[%dma_wait3A, %dma_wait3A_50] : memref<2064x128xf32, #tpu.memory_space<vmem_shared>> -> memref<2064x128xf32, #tpu.memory_space<vmem_shared>>
        tpu.wait_indirect_dma semaphore(%run_scoped3A : memref<!tpu.dma_semaphore, #tpu.memory_space<semaphore_mem>>) src(%arg7 : memref<128x128xf32, #tpu.memory_space<vmem>>) dst(%dma_wait3A_51 : memref<2064x128xf32, #tpu.memory_space<vmem_shared>>)
        tpu.yield
      }) : () -> ()
      %scan3A_43 = arith.constant 0 : i32
      %scan3A_44 = arith.constant 8 : i32
      %scan3A_45 = arith.addi %scan3A_43, %scan3A_44 : i32
      %scan3A_46 = arith.constant 1 : i32
      scf.for %scan3A_48 = %scan3A_43 to %scan3A_45 step %scan3A_46  : i32 {
        %mul3A_49 = arith.constant 1 : i32
        %mul3A_50 = arith.muli %scan3A_48, %mul3A_49 : i32
        %add3A_51 = arith.constant 0 : i32
        %add3A_52 = arith.addi %add3A_51, %mul3A_50 : i32
        %mul3A_53 = arith.constant 16 : i32
        %mul3A_54 = arith.muli %add3A_52, %mul3A_53 : i32
        %get3A = arith.index_cast %mul3A_54 : i32 to index
        %get3A_55 = tpu.vector_load %arg9[%get3A] {strides = array<i32>} : memref<128xi32, #tpu.memory_space<vmem>>, vector<16xi32>,
        %broadcast_in_dim3A_56 = arith.constant 0 : i32
        %broadcast_in_dim3A_57 = vector.broadcast %broadcast_in_dim3A_56 : i32 to vector<16xi32>
        %lt3A = arith.constant 0 : i32
        %lt3A_58 = vector.broadcast %lt3A : i32 to vector<16xi32>
        %lt3A_59 = arith.cmpi slt, %broadcast_in_dim3A_57, %lt3A_58 : vector<16xi32>
        %add3A_60 = arith.constant 16 : i32
        %add3A_61 = vector.broadcast %add3A_60 : i32 to vector<16xi32>
        %add3A_62 = arith.addi %broadcast_in_dim3A_57, %add3A_61 : vector<16xi32>
        %select_n3A = arith.select %lt3A_59, %add3A_62, %broadcast_in_dim3A_57 : vector<16xi1>, vector<16xi32>
        %broadcast_in_dim3A_63 = vector.shape_cast %select_n3A : vector<16xi32> to vector<16x1xi32>
        %gather3A = vector.shape_cast %broadcast_in_dim3A_63 : vector<16x1xi32> to vector<16xi32>
        %gather3A_64 = tpu.dynamic_gather %get3A_55[%gather3A] in [0] : vector<16xi32>, vector<16xi32> -> vector<16xi32>
        tpu.vector_store_idx %arg11[%gather3A_64], %broadcast_in_dim3A_3 masked %eq3A_5 {add = true} : memref<2064xf32, #tpu.memory_space<vmem>>[vector<16xi32>], vector<16xf32>, vector<16xi1>
        %broadcast_in_dim3A_65 = arith.constant 1 : i32
        %broadcast_in_dim3A_66 = vector.broadcast %broadcast_in_dim3A_65 : i32 to vector<16xi32>
        %lt3A_67 = arith.constant 0 : i32
        %lt3A_68 = vector.broadcast %lt3A_67 : i32 to vector<16xi32>
        %lt3A_69 = arith.cmpi slt, %broadcast_in_dim3A_66, %lt3A_68 : vector<16xi32>
        %add3A_70 = arith.constant 16 : i32
        %add3A_71 = vector.broadcast %add3A_70 : i32 to vector<16xi32>
        %add3A_72 = arith.addi %broadcast_in_dim3A_66, %add3A_71 : vector<16xi32>
        %select_n3A_73 = arith.select %lt3A_69, %add3A_72, %broadcast_in_dim3A_66 : vector<16xi1>, vector<16xi32>
        %broadcast_in_dim3A_74 = vector.shape_cast %select_n3A_73 : vector<16xi32> to vector<16x1xi32>
        %gather3A_75 = vector.shape_cast %broadcast_in_dim3A_74 : vector<16x1xi32> to vector<16xi32>
        %gather3A_76 = tpu.dynamic_gather %get3A_55[%gather3A_75] in [0] : vector<16xi32>, vector<16xi32> -> vector<16xi32>
        tpu.vector_store_idx %arg11[%gather3A_76], %broadcast_in_dim3A_3 masked %eq3A_5 {add = true} : memref<2064xf32, #tpu.memory_space<vmem>>[vector<16xi32>], vector<16xf32>, vector<16xi1>
        %broadcast_in_dim3A_77 = arith.constant 2 : i32
        %broadcast_in_dim3A_78 = vector.broadcast %broadcast_in_dim3A_77 : i32 to vector<16xi32>
        %lt3A_79 = arith.constant 0 : i32
        %lt3A_80 = vector.broadcast %lt3A_79 : i32 to vector<16xi32>
        %lt3A_81 = arith.cmpi slt, %broadcast_in_dim3A_78, %lt3A_80 : vector<16xi32>
        %add3A_82 = arith.constant 16 : i32
        %add3A_83 = vector.broadcast %add3A_82 : i32 to vector<16xi32>
        %add3A_84 = arith.addi %broadcast_in_dim3A_78, %add3A_83 : vector<16xi32>
        %select_n3A_85 = arith.select %lt3A_81, %add3A_84, %broadcast_in_dim3A_78 : vector<16xi1>, vector<16xi32>
        %broadcast_in_dim3A_86 = vector.shape_cast %select_n3A_85 : vector<16xi32> to vector<16x1xi32>
        %gather3A_87 = vector.shape_cast %broadcast_in_dim3A_86 : vector<16x1xi32> to vector<16xi32>
        %gather3A_88 = tpu.dynamic_gather %get3A_55[%gather3A_87] in [0] : vector<16xi32>, vector<16xi32> -> vector<16xi32>
        tpu.vector_store_idx %arg11[%gather3A_88], %broadcast_in_dim3A_3 masked %eq3A_5 {add = true} : memref<2064xf32, #tpu.memory_space<vmem>>[vector<16xi32>], vector<16xf32>, vector<16xi1>
        %broadcast_in_dim3A_89 = arith.constant 3 : i32
        %broadcast_in_dim3A_90 = vector.broadcast %broadcast_in_dim3A_89 : i32 to vector<16xi32>
        %lt3A_91 = arith.constant 0 : i32
        %lt3A_92 = vector.broadcast %lt3A_91 : i32 to vector<16xi32>
        %lt3A_93 = arith.cmpi slt, %broadcast_in_dim3A_90, %lt3A_92 : vector<16xi32>
        %add3A_94 = arith.constant 16 : i32
        %add3A_95 = vector.broadcast %add3A_94 : i32 to vector<16xi32>
        %add3A_96 = arith.addi %broadcast_in_dim3A_90, %add3A_95 : vector<16xi32>
        %select_n3A_97 = arith.select %lt3A_93, %add3A_96, %broadcast_in_dim3A_90 : vector<16xi1>, vector<16xi32>
        %broadcast_in_dim3A_98 = vector.shape_cast %select_n3A_97 : vector<16xi32> to vector<16x1xi32>
        %gather3A_99 = vector.shape_cast %broadcast_in_dim3A_98 : vector<16x1xi32> to vector<16xi32>
        %gather3A_100 = tpu.dynamic_gather %get3A_55[%gather3A_99] in [0] : vector<16xi32>, vector<16xi32> -> vector<16xi32>
        tpu.vector_store_idx %arg11[%gather3A_100], %broadcast_in_dim3A_3 masked %eq3A_5 {add = true} : memref<2064xf32, #tpu.memory_space<vmem>>[vector<16xi32>], vector<16xf32>, vector<16xi1>
        %broadcast_in_dim3A_101 = arith.constant 4 : i32
        %broadcast_in_dim3A_102 = vector.broadcast %broadcast_in_dim3A_101 : i32 to vector<16xi32>
        %lt3A_103 = arith.constant 0 : i32
        %lt3A_104 = vector.broadcast %lt3A_103 : i32 to vector<16xi32>
        %lt3A_105 = arith.cmpi slt, %broadcast_in_dim3A_102, %lt3A_104 : vector<16xi32>
        %add3A_106 = arith.constant 16 : i32
        %add3A_107 = vector.broadcast %add3A_106 : i32 to vector<16xi32>
        %add3A_108 = arith.addi %broadcast_in_dim3A_102, %add3A_107 : vector<16xi32>
        %select_n3A_109 = arith.select %lt3A_105, %add3A_108, %broadcast_in_dim3A_102 : vector<16xi1>, vector<16xi32>
        %broadcast_in_dim3A_110 = vector.shape_cast %select_n3A_109 : vector<16xi32> to vector<16x1xi32>
        %gather3A_111 = vector.shape_cast %broadcast_in_dim3A_110 : vector<16x1xi32> to vector<16xi32>
        %gather3A_112 = tpu.dynamic_gather %get3A_55[%gather3A_111] in [0] : vector<16xi32>, vector<16xi32> -> vector<16xi32>
        tpu.vector_store_idx %arg11[%gather3A_112], %broadcast_in_dim3A_3 masked %eq3A_5 {add = true} : memref<2064xf32, #tpu.memory_space<vmem>>[vector<16xi32>], vector<16xf32>, vector<16xi1>
        %broadcast_in_dim3A_113 = arith.constant 5 : i32
        %broadcast_in_dim3A_114 = vector.broadcast %broadcast_in_dim3A_113 : i32 to vector<16xi32>
        %lt3A_115 = arith.constant 0 : i32
        %lt3A_116 = vector.broadcast %lt3A_115 : i32 to vector<16xi32>
        %lt3A_117 = arith.cmpi slt, %broadcast_in_dim3A_114, %lt3A_116 : vector<16xi32>
        %add3A_118 = arith.constant 16 : i32
        %add3A_119 = vector.broadcast %add3A_118 : i32 to vector<16xi32>
        %add3A_120 = arith.addi %broadcast_in_dim3A_114, %add3A_119 : vector<16xi32>
        %select_n3A_121 = arith.select %lt3A_117, %add3A_120, %broadcast_in_dim3A_114 : vector<16xi1>, vector<16xi32>
        %broadcast_in_dim3A_122 = vector.shape_cast %select_n3A_121 : vector<16xi32> to vector<16x1xi32>
        %gather3A_123 = vector.shape_cast %broadcast_in_dim3A_122 : vector<16x1xi32> to vector<16xi32>
        %gather3A_124 = tpu.dynamic_gather %get3A_55[%gather3A_123] in [0] : vector<16xi32>, vector<16xi32> -> vector<16xi32>
        tpu.vector_store_idx %arg11[%gather3A_124], %broadcast_in_dim3A_3 masked %eq3A_5 {add = true} : memref<2064xf32, #tpu.memory_space<vmem>>[vector<16xi32>], vector<16xf32>, vector<16xi1>
        %broadcast_in_dim3A_125 = arith.constant 6 : i32
        %broadcast_in_dim3A_126 = vector.broadcast %broadcast_in_dim3A_125 : i32 to vector<16xi32>
        %lt3A_127 = arith.constant 0 : i32
        %lt3A_128 = vector.broadcast %lt3A_127 : i32 to vector<16xi32>
        %lt3A_129 = arith.cmpi slt, %broadcast_in_dim3A_126, %lt3A_128 : vector<16xi32>
        %add3A_130 = arith.constant 16 : i32
        %add3A_131 = vector.broadcast %add3A_130 : i32 to vector<16xi32>
        %add3A_132 = arith.addi %broadcast_in_dim3A_126, %add3A_131 : vector<16xi32>
        %select_n3A_133 = arith.select %lt3A_129, %add3A_132, %broadcast_in_dim3A_126 : vector<16xi1>, vector<16xi32>
        %broadcast_in_dim3A_134 = vector.shape_cast %select_n3A_133 : vector<16xi32> to vector<16x1xi32>
        %gather3A_135 = vector.shape_cast %broadcast_in_dim3A_134 : vector<16x1xi32> to vector<16xi32>
        %gather3A_136 = tpu.dynamic_gather %get3A_55[%gather3A_135] in [0] : vector<16xi32>, vector<16xi32> -> vector<16xi32>
        tpu.vector_store_idx %arg11[%gather3A_136], %broadcast_in_dim3A_3 masked %eq3A_5 {add = true} : memref<2064xf32, #tpu.memory_space<vmem>>[vector<16xi32>], vector<16xf32>, vector<16xi1>
        %broadcast_in_dim3A_137 = arith.constant 7 : i32
        %broadcast_in_dim3A_138 = vector.broadcast %broadcast_in_dim3A_137 : i32 to vector<16xi32>
        %lt3A_139 = arith.constant 0 : i32
        %lt3A_140 = vector.broadcast %lt3A_139 : i32 to vector<16xi32>
        %lt3A_141 = arith.cmpi slt, %broadcast_in_dim3A_138, %lt3A_140 : vector<16xi32>
        %add3A_142 = arith.constant 16 : i32
        %add3A_143 = vector.broadcast %add3A_142 : i32 to vector<16xi32>
        %add3A_144 = arith.addi %broadcast_in_dim3A_138, %add3A_143 : vector<16xi32>
        %select_n3A_145 = arith.select %lt3A_141, %add3A_144, %broadcast_in_dim3A_138 : vector<16xi1>, vector<16xi32>
        %broadcast_in_dim3A_146 = vector.shape_cast %select_n3A_145 : vector<16xi32> to vector<16x1xi32>
        %gather3A_147 = vector.shape_cast %broadcast_in_dim3A_146 : vector<16x1xi32> to vector<16xi32>
        %gather3A_148 = tpu.dynamic_gather %get3A_55[%gather3A_147] in [0] : vector<16xi32>, vector<16xi32> -> vector<16xi32>
        tpu.vector_store_idx %arg11[%gather3A_148], %broadcast_in_dim3A_3 masked %eq3A_5 {add = true} : memref<2064xf32, #tpu.memory_space<vmem>>[vector<16xi32>], vector<16xf32>, vector<16xi1>
        %broadcast_in_dim3A_149 = arith.constant 8 : i32
        %broadcast_in_dim3A_150 = vector.broadcast %broadcast_in_dim3A_149 : i32 to vector<16xi32>
        %lt3A_151 = arith.constant 0 : i32
        %lt3A_152 = vector.broadcast %lt3A_151 : i32 to vector<16xi32>
        %lt3A_153 = arith.cmpi slt, %broadcast_in_dim3A_150, %lt3A_152 : vector<16xi32>
        %add3A_154 = arith.constant 16 : i32
        %add3A_155 = vector.broadcast %add3A_154 : i32 to vector<16xi32>
        %add3A_156 = arith.addi %broadcast_in_dim3A_150, %add3A_155 : vector<16xi32>
        %select_n3A_157 = arith.select %lt3A_153, %add3A_156, %broadcast_in_dim3A_150 : vector<16xi1>, vector<16xi32>
        %broadcast_in_dim3A_158 = vector.shape_cast %select_n3A_157 : vector<16xi32> to vector<16x1xi32>
        %gather3A_159 = vector.shape_cast %broadcast_in_dim3A_158 : vector<16x1xi32> to vector<16xi32>
        %gather3A_160 = tpu.dynamic_gather %get3A_55[%gather3A_159] in [0] : vector<16xi32>, vector<16xi32> -> vector<16xi32>
        tpu.vector_store_idx %arg11[%gather3A_160], %broadcast_in_dim3A_3 masked %eq3A_5 {add = true} : memref<2064xf32, #tpu.memory_space<vmem>>[vector<16xi32>], vector<16xf32>, vector<16xi1>
        %broadcast_in_dim3A_161 = arith.constant 9 : i32
        %broadcast_in_dim3A_162 = vector.broadcast %broadcast_in_dim3A_161 : i32 to vector<16xi32>
        %lt3A_163 = arith.constant 0 : i32
        %lt3A_164 = vector.broadcast %lt3A_163 : i32 to vector<16xi32>
        %lt3A_165 = arith.cmpi slt, %broadcast_in_dim3A_162, %lt3A_164 : vector<16xi32>
        %add3A_166 = arith.constant 16 : i32
        %add3A_167 = vector.broadcast %add3A_166 : i32 to vector<16xi32>
        %add3A_168 = arith.addi %broadcast_in_dim3A_162, %add3A_167 : vector<16xi32>
        %select_n3A_169 = arith.select %lt3A_165, %add3A_168, %broadcast_in_dim3A_162 : vector<16xi1>, vector<16xi32>
        %broadcast_in_dim3A_170 = vector.shape_cast %select_n3A_169 : vector<16xi32> to vector<16x1xi32>
        %gather3A_171 = vector.shape_cast %broadcast_in_dim3A_170 : vector<16x1xi32> to vector<16xi32>
        %gather3A_172 = tpu.dynamic_gather %get3A_55[%gather3A_171] in [0] : vector<16xi32>, vector<16xi32> -> vector<16xi32>
        tpu.vector_store_idx %arg11[%gather3A_172], %broadcast_in_dim3A_3 masked %eq3A_5 {add = true} : memref<2064xf32, #tpu.memory_space<vmem>>[vector<16xi32>], vector<16xf32>, vector<16xi1>
        %broadcast_in_dim3A_173 = arith.constant 10 : i32
        %broadcast_in_dim3A_174 = vector.broadcast %broadcast_in_dim3A_173 : i32 to vector<16xi32>
        %lt3A_175 = arith.constant 0 : i32
        %lt3A_176 = vector.broadcast %lt3A_175 : i32 to vector<16xi32>
        %lt3A_177 = arith.cmpi slt, %broadcast_in_dim3A_174, %lt3A_176 : vector<16xi32>
        %add3A_178 = arith.constant 16 : i32
        %add3A_179 = vector.broadcast %add3A_178 : i32 to vector<16xi32>
        %add3A_180 = arith.addi %broadcast_in_dim3A_174, %add3A_179 : vector<16xi32>
        %select_n3A_181 = arith.select %lt3A_177, %add3A_180, %broadcast_in_dim3A_174 : vector<16xi1>, vector<16xi32>
        %broadcast_in_dim3A_182 = vector.shape_cast %select_n3A_181 : vector<16xi32> to vector<16x1xi32>
        %gather3A_183 = vector.shape_cast %broadcast_in_dim3A_182 : vector<16x1xi32> to vector<16xi32>
        %gather3A_184 = tpu.dynamic_gather %get3A_55[%gather3A_183] in [0] : vector<16xi32>, vector<16xi32> -> vector<16xi32>
        tpu.vector_store_idx %arg11[%gather3A_184], %broadcast_in_dim3A_3 masked %eq3A_5 {add = true} : memref<2064xf32, #tpu.memory_space<vmem>>[vector<16xi32>], vector<16xf32>, vector<16xi1>
        %broadcast_in_dim3A_185 = arith.constant 11 : i32
        %broadcast_in_dim3A_186 = vector.broadcast %broadcast_in_dim3A_185 : i32 to vector<16xi32>
        %lt3A_187 = arith.constant 0 : i32
        %lt3A_188 = vector.broadcast %lt3A_187 : i32 to vector<16xi32>
        %lt3A_189 = arith.cmpi slt, %broadcast_in_dim3A_186, %lt3A_188 : vector<16xi32>
        %add3A_190 = arith.constant 16 : i32
        %add3A_191 = vector.broadcast %add3A_190 : i32 to vector<16xi32>
        %add3A_192 = arith.addi %broadcast_in_dim3A_186, %add3A_191 : vector<16xi32>
        %select_n3A_193 = arith.select %lt3A_189, %add3A_192, %broadcast_in_dim3A_186 : vector<16xi1>, vector<16xi32>
        %broadcast_in_dim3A_194 = vector.shape_cast %select_n3A_193 : vector<16xi32> to vector<16x1xi32>
        %gather3A_195 = vector.shape_cast %broadcast_in_dim3A_194 : vector<16x1xi32> to vector<16xi32>
        %gather3A_196 = tpu.dynamic_gather %get3A_55[%gather3A_195] in [0] : vector<16xi32>, vector<16xi32> -> vector<16xi32>
        tpu.vector_store_idx %arg11[%gather3A_196], %broadcast_in_dim3A_3 masked %eq3A_5 {add = true} : memref<2064xf32, #tpu.memory_space<vmem>>[vector<16xi32>], vector<16xf32>, vector<16xi1>
        %broadcast_in_dim3A_197 = arith.constant 12 : i32
        %broadcast_in_dim3A_198 = vector.broadcast %broadcast_in_dim3A_197 : i32 to vector<16xi32>
        %lt3A_199 = arith.constant 0 : i32
        %lt3A_200 = vector.broadcast %lt3A_199 : i32 to vector<16xi32>
        %lt3A_201 = arith.cmpi slt, %broadcast_in_dim3A_198, %lt3A_200 : vector<16xi32>
        %add3A_202 = arith.constant 16 : i32
        %add3A_203 = vector.broadcast %add3A_202 : i32 to vector<16xi32>
        %add3A_204 = arith.addi %broadcast_in_dim3A_198, %add3A_203 : vector<16xi32>
        %select_n3A_205 = arith.select %lt3A_201, %add3A_204, %broadcast_in_dim3A_198 : vector<16xi1>, vector<16xi32>
        %broadcast_in_dim3A_206 = vector.shape_cast %select_n3A_205 : vector<16xi32> to vector<16x1xi32>
        %gather3A_207 = vector.shape_cast %broadcast_in_dim3A_206 : vector<16x1xi32> to vector<16xi32>
        %gather3A_208 = tpu.dynamic_gather %get3A_55[%gather3A_207] in [0] : vector<16xi32>, vector<16xi32> -> vector<16xi32>
        tpu.vector_store_idx %arg11[%gather3A_208], %broadcast_in_dim3A_3 masked %eq3A_5 {add = true} : memref<2064xf32, #tpu.memory_space<vmem>>[vector<16xi32>], vector<16xf32>, vector<16xi1>
        %broadcast_in_dim3A_209 = arith.constant 13 : i32
        %broadcast_in_dim3A_210 = vector.broadcast %broadcast_in_dim3A_209 : i32 to vector<16xi32>
        %lt3A_211 = arith.constant 0 : i32
        %lt3A_212 = vector.broadcast %lt3A_211 : i32 to vector<16xi32>
        %lt3A_213 = arith.cmpi slt, %broadcast_in_dim3A_210, %lt3A_212 : vector<16xi32>
        %add3A_214 = arith.constant 16 : i32
        %add3A_215 = vector.broadcast %add3A_214 : i32 to vector<16xi32>
        %add3A_216 = arith.addi %broadcast_in_dim3A_210, %add3A_215 : vector<16xi32>
        %select_n3A_217 = arith.select %lt3A_213, %add3A_216, %broadcast_in_dim3A_210 : vector<16xi1>, vector<16xi32>
        %broadcast_in_dim3A_218 = vector.shape_cast %select_n3A_217 : vector<16xi32> to vector<16x1xi32>
        %gather3A_219 = vector.shape_cast %broadcast_in_dim3A_218 : vector<16x1xi32> to vector<16xi32>
        %gather3A_220 = tpu.dynamic_gather %get3A_55[%gather3A_219] in [0] : vector<16xi32>, vector<16xi32> -> vector<16xi32>
        tpu.vector_store_idx %arg11[%gather3A_220], %broadcast_in_dim3A_3 masked %eq3A_5 {add = true} : memref<2064xf32, #tpu.memory_space<vmem>>[vector<16xi32>], vector<16xf32>, vector<16xi1>
        %broadcast_in_dim3A_221 = arith.constant 14 : i32
        %broadcast_in_dim3A_222 = vector.broadcast %broadcast_in_dim3A_221 : i32 to vector<16xi32>
        %lt3A_223 = arith.constant 0 : i32
        %lt3A_224 = vector.broadcast %lt3A_223 : i32 to vector<16xi32>
        %lt3A_225 = arith.cmpi slt, %broadcast_in_dim3A_222, %lt3A_224 : vector<16xi32>
        %add3A_226 = arith.constant 16 : i32
        %add3A_227 = vector.broadcast %add3A_226 : i32 to vector<16xi32>
        %add3A_228 = arith.addi %broadcast_in_dim3A_222, %add3A_227 : vector<16xi32>
        %select_n3A_229 = arith.select %lt3A_225, %add3A_228, %broadcast_in_dim3A_222 : vector<16xi1>, vector<16xi32>
        %broadcast_in_dim3A_230 = vector.shape_cast %select_n3A_229 : vector<16xi32> to vector<16x1xi32>
        %gather3A_231 = vector.shape_cast %broadcast_in_dim3A_230 : vector<16x1xi32> to vector<16xi32>
        %gather3A_232 = tpu.dynamic_gather %get3A_55[%gather3A_231] in [0] : vector<16xi32>, vector<16xi32> -> vector<16xi32>
        tpu.vector_store_idx %arg11[%gather3A_232], %broadcast_in_dim3A_3 masked %eq3A_5 {add = true} : memref<2064xf32, #tpu.memory_space<vmem>>[vector<16xi32>], vector<16xf32>, vector<16xi1>
        %broadcast_in_dim3A_233 = arith.constant 15 : i32
        %broadcast_in_dim3A_234 = vector.broadcast %broadcast_in_dim3A_233 : i32 to vector<16xi32>
        %lt3A_235 = arith.constant 0 : i32
        %lt3A_236 = vector.broadcast %lt3A_235 : i32 to vector<16xi32>
        %lt3A_237 = arith.cmpi slt, %broadcast_in_dim3A_234, %lt3A_236 : vector<16xi32>
        %add3A_238 = arith.constant 16 : i32
        %add3A_239 = vector.broadcast %add3A_238 : i32 to vector<16xi32>
        %add3A_240 = arith.addi %broadcast_in_dim3A_234, %add3A_239 : vector<16xi32>
        %select_n3A_241 = arith.select %lt3A_237, %add3A_240, %broadcast_in_dim3A_234 : vector<16xi1>, vector<16xi32>
        %broadcast_in_dim3A_242 = vector.shape_cast %select_n3A_241 : vector<16xi32> to vector<16x1xi32>
        %gather3A_243 = vector.shape_cast %broadcast_in_dim3A_242 : vector<16x1xi32> to vector<16xi32>
        %gather3A_244 = tpu.dynamic_gather %get3A_55[%gather3A_243] in [0] : vector<16xi32>, vector<16xi32> -> vector<16xi32>
        tpu.vector_store_idx %arg11[%gather3A_244], %broadcast_in_dim3A_3 masked %eq3A_5 {add = true} : memref<2064xf32, #tpu.memory_space<vmem>>[vector<16xi32>], vector<16xf32>, vector<16xi1>
      }
      %scan3A_47 = arith.constant 8 : i32
    }
    %scan3A_24 = arith.constant 25 : i32
    %barrier3A_25 = arith.constant 0 : index
    tpu.barrier barrier_id(%barrier3A_25)
    %mul3A_26 = arith.constant 128 : i32
    %mul3A_27 = arith.muli %arg1, %mul3A_26 : i32
    %mul3A_28 = arith.constant 128 : i32
    %mul3A_29 = arith.muli %arg1, %mul3A_28 : i32
    "tpu.region"() ({
      %run_scoped3A = tpu.sem_alloc : memref<!tpu.dma_semaphore, #tpu.memory_space<semaphore_mem>>
      %dma_start3A = arith.constant 0 : i32
      %dma_start3A_30 = tpu.memref_slice %arg4[%arg0, %mul3A_29, %dma_start3A] : memref<2x2048x128xf32, #tpu.memory_space<hbm>> -> memref<1x128x128xf32, #tpu.memory_space<hbm>>
      %dma_start3A_31 = tpu.memref_squeeze %dma_start3A_30 : memref<1x128x128xf32, #tpu.memory_space<hbm>> -> memref<128x128xf32, #tpu.memory_space<hbm>>
      %dma_start3A_32 = arith.constant 0 : i32
      %dma_start3A_33 = tpu.memref_slice %arg6[%mul3A_27, %dma_start3A_32] : memref<2064x128xf32, #tpu.memory_space<vmem_shared>> -> memref<128x128xf32, #tpu.memory_space<vmem_shared>>
      tpu.enqueue_dma source(%dma_start3A_33 : memref<128x128xf32, #tpu.memory_space<vmem_shared>>) target(%dma_start3A_31 : memref<128x128xf32, #tpu.memory_space<hbm>>) target_semaphore(%run_scoped3A : memref<!tpu.dma_semaphore, #tpu.memory_space<semaphore_mem>>)
      %dma_wait3A = arith.constant 0 : i32
      %dma_wait3A_34 = tpu.memref_slice %arg4[%arg0, %mul3A_29, %dma_wait3A] : memref<2x2048x128xf32, #tpu.memory_space<hbm>> -> memref<1x128x128xf32, #tpu.memory_space<hbm>>
      %dma_wait3A_35 = tpu.memref_squeeze %dma_wait3A_34 : memref<1x128x128xf32, #tpu.memory_space<hbm>> -> memref<128x128xf32, #tpu.memory_space<hbm>>
      %dma_wait3A_36 = arith.constant 0 : i32
      %dma_wait3A_37 = tpu.memref_slice %arg6[%mul3A_27, %dma_wait3A_36] : memref<2064x128xf32, #tpu.memory_space<vmem_shared>> -> memref<128x128xf32, #tpu.memory_space<vmem_shared>>
      tpu.wait_dma2 semaphore(%run_scoped3A : memref<!tpu.dma_semaphore, #tpu.memory_space<semaphore_mem>>) src(%dma_wait3A_37 : memref<128x128xf32, #tpu.memory_space<vmem_shared>>) dst(%dma_wait3A_35 : memref<128x128xf32, #tpu.memory_space<hbm>>)
      tpu.yield
    }) : () -> ()
    "tpu.region"() ({
      %run_scoped3A = tpu.sem_alloc : memref<!tpu.dma_semaphore, #tpu.memory_space<semaphore_mem>>
      %dma_start3A = arith.constant 0 : i32
      %dma_start3A_30 = tpu.memref_slice %arg11[%dma_start3A] : memref<2064xf32, #tpu.memory_space<vmem>> -> memref<2048xf32, #tpu.memory_space<vmem>>
      %dma_start3A_31 = arith.constant 0 : i32
      %dma_start3A_32 = tpu.memref_slice %arg5[%add3A, %dma_start3A_31] : memref<32x2048xf32, #tpu.memory_space<hbm>> -> memref<1x2048xf32, #tpu.memory_space<hbm>>
      %dma_start3A_33 = tpu.memref_squeeze %dma_start3A_32 : memref<1x2048xf32, #tpu.memory_space<hbm>> -> memref<2048xf32, #tpu.memory_space<hbm>>
      %dma_start3A_34 = arith.constant 0 : i32
      %dma_start3A_35 = tpu.memref_slice %arg5[%add3A, %dma_start3A_34] : memref<32x2048xf32, #tpu.memory_space<hbm>> -> memref<1x2048xf32, #tpu.memory_space<hbm>>
      %dma_start3A_36 = tpu.memref_squeeze %dma_start3A_35 : memref<1x2048xf32, #tpu.memory_space<hbm>> -> memref<2048xf32, #tpu.memory_space<hbm>>
      %dma_start3A_37 = arith.constant 0 : i32
      %dma_start3A_38 = tpu.memref_slice %arg11[%dma_start3A_37] : memref<2064xf32, #tpu.memory_space<vmem>> -> memref<2048xf32, #tpu.memory_space<vmem>>
      tpu.enqueue_dma source(%dma_start3A_38 : memref<2048xf32, #tpu.memory_space<vmem>>) target(%dma_start3A_36 : memref<2048xf32, #tpu.memory_space<hbm>>) target_semaphore(%run_scoped3A : memref<!tpu.dma_semaphore, #tpu.memory_space<semaphore_mem>>)
      %dma_wait3A = arith.constant 0 : i32
      %dma_wait3A_39 = tpu.memref_slice %arg11[%dma_wait3A] : memref<2064xf32, #tpu.memory_space<vmem>> -> memref<2048xf32, #tpu.memory_space<vmem>>
      %dma_wait3A_40 = arith.constant 0 : i32
      %dma_wait3A_41 = tpu.memref_slice %arg5[%add3A, %dma_wait3A_40] : memref<32x2048xf32, #tpu.memory_space<hbm>> -> memref<1x2048xf32, #tpu.memory_space<hbm>>
      %dma_wait3A_42 = tpu.memref_squeeze %dma_wait3A_41 : memref<1x2048xf32, #tpu.memory_space<hbm>> -> memref<2048xf32, #tpu.memory_space<hbm>>
      %dma_wait3A_43 = arith.constant 0 : i32
      %dma_wait3A_44 = tpu.memref_slice %arg5[%add3A, %dma_wait3A_43] : memref<32x2048xf32, #tpu.memory_space<hbm>> -> memref<1x2048xf32, #tpu.memory_space<hbm>>
      %dma_wait3A_45 = tpu.memref_squeeze %dma_wait3A_44 : memref<1x2048xf32, #tpu.memory_space<hbm>> -> memref<2048xf32, #tpu.memory_space<hbm>>
      %dma_wait3A_46 = arith.constant 0 : i32
      %dma_wait3A_47 = tpu.memref_slice %arg11[%dma_wait3A_46] : memref<2064xf32, #tpu.memory_space<vmem>> -> memref<2048xf32, #tpu.memory_space<vmem>>
      tpu.wait_dma2 semaphore(%run_scoped3A : memref<!tpu.dma_semaphore, #tpu.memory_space<semaphore_mem>>) src(%dma_wait3A_47 : memref<2048xf32, #tpu.memory_space<vmem>>) dst(%dma_wait3A_45 : memref<2048xf32, #tpu.memory_space<hbm>>)
      tpu.yield
    }) : () -> ()
    return
  }
}

</mosaic_0001>

<sc_bundles>
// kernel: _sc_segment_sum.3.cloned.1.call-start
scs
__scs_entry_jumppad:
0x0: {  	(pc) =	sbr.rel $0x88, $3  }
0x1: {  	(tag) =	ssettag $0x0;
	lr =	simm.s32 $0x1  }
0x2: {  	[smem:$0x3F9F] =	sst lr;
	_ =	strace $0xD0000000  }
0x3: {  	_ = 	snop  }
0x4: {  	_ = 	snop  }
0x5: {  	_ = 	snop  }
0x6: {  	_ = 	snop  }
0x7: {  	_ = 	snop  }
__scs_overlays_trampoline_lowered:
0x8: {  	[smem:$0x3FAE] =	sst s0  }
0x9: {  	[smem:$0x3FAF] =	sst s1  }
0xa: {  	[smem:$0x3FB0] =	sst s2  }
0xb: {  	[smem:$0x3FB1] =	sst s3  }
0xc: {  	[smem:$0x3FB2] =	sst s4  }
0xd: {  	[smem:$0x3FB3] =	sst s5  }
0xe: {  	[smem:$0x3FB4] =	sst s6  }
0xf: {  	[smem:$0x3FB5] =	sst s7  }
0x10: {  	[smem:$0x3FB6] =	sst s8  }
0x11: {  	[smem:$0x3FB7] =	sst s9;
	s0 =	simm.s32 @!p0 $0x0  }
0x12: {  	s1 =	sld [smem:$0x3F9D];
	s0 =	simm.s32 @p0 $0x1  }
0x13: {  	[smem:$0x3FB8] =	sst s0;
	s0 =	simm.s32 @!p1 $0x0  }
0x14: {  	s2 =	sld [smem:$0x3F9C];
	s0 =	simm.s32 @p1 $0x1  }
0x15: {  	[smem:$0x3FB9] =	sst s0;
	s0 =	simm.s32 @!p2 $0x0  }
0x16: {  	s3 =	sld [smem:$0x3FDB];
	s0 =	simm.s32 @p2 $0x1  }
0x17: {  	s4 =	simm.s32 $0x1BF5;
	[smem:$0x3FBB] =	sst s0  }
0x18: {  	s0 =	sld [smem:$0x3F9E];
	_ =	swait.ge [sflag:s4], $0x0  }
0x19: {  	s7 =	sld [smem:$0x3F9F]  }
0x1a: {  	s8 =	sadd.s32 $0xFFFFE003, lr  }
0x1b: {  	s9 =	sadd.s32 $0xFFFFFEF7, lr;
	s5 =	simm.s32 $0xFFFFFFFF;
	p2 =	slt.u32 s8, $0xFFFFF086  }
0x1c: {  	p1 =	slt.u32 s9, $0xF7A;
	s5 =	simm.s32 @!p2 $0x0  }
0x1d: {  	s5 =	simm.s32 @p1 $0x1;
	p0 =	seq.s32 s7, s2  }
0x1e: {  	s7 =	smul.u32 @!p0 $0xF7A, s2;
	p2 =	seq.s32 @!p0 s5, $0x0  }
0x1f: {  	s9 =	smul.u32 $0xF7A, s1;
	s8 =	simm.s32 @!p0 $0x1BF5;
	p2 =	por !p2, p0  }
0x20: {  	[sflag:s8] =	ssyncset.s32 @!p0 $0xFFFFF086;
	s6 =	sadd.s32 @!p0 s3, s7;
	s7 =	simm.s32 @!p0 $0x108  }
0x21: {  	s3 =	sadd.s32 s3, s9;
	s6 =	sadd.s32 @!p0 $0x88, s6;
	s7 =	simm.s32 @p2 $0x1082  }
0x22: {  	[simem:s7], [sflag:s8] =	dma.local @!p0 [hbm:s6], $0xF7A  }
0x23: {  	s9 =	sor.u32 $0xD0000000, s2;
	s6 =	simm.s32 $0x108;
	_ =	swait.ge @!p0 [sflag:s8], $0x0  }
0x24: {  	s3 =	sadd.s32 $0x88, s3;
	s6 =	simm.s32 @!p1 $0x1082;
	[sflag:s4] =	ssyncset.s32 $0xFFFFF086  }
0x25: {  	[simem:s6], [sflag:s4] =	dma.local [hbm:s3], $0xF7A  }
0x26: {  	[smem:$0x3F9F] =	sst s1;
	(tag) =	ssettag s2;
	_ =	strace s9  }
0x27: {  	s1 =	sld [smem:$0x3FAF]  }
0x28: {  	s2 =	sld [smem:$0x3FB0]  }
0x29: {  	s4 =	sld [smem:$0x3FB2]  }
0x2a: {  	p0 =	seq.s32 s5, $0x0;
	s5 =	sld [smem:$0x3FB3]  }
0x2b: {  	s6 =	sld [smem:$0x3FB4]  }
0x2c: {  	s7 =	sld [smem:$0x3FB5]  }
0x2d: {  	s3 =	simm.s32 $0x108;
	s8 =	sld [smem:$0x3FB6]  }
0x2e: {  	s3 =	simm.s32 @!p0 $0x1082;
	s9 =	sld [smem:$0x3FB7]  }
0x2f: {  	lr =	sadd.s32 s0, s3;
	s0 =	sld [smem:$0x3FAE]  }
0x30: {  	s3 =	sld [smem:$0x3FB1]  }
0x31: {  	[smem:$0x3FBA] =	sst s10  }
0x32: {  	s10 =	sld [smem:$0x3FB8];
	_ =	sdelay $0x3  }
0x33: {  	p0 =	seq.s32 s10, $0x1;
	s10 =	sld [smem:$0x3FBA];
	_ =	sdelay $0x3  }
0x34: {  	[smem:$0x3FBA] =	sst s10  }
0x35: {  	s10 =	sld [smem:$0x3FB9];
	_ =	sdelay $0x3  }
0x36: {  	p1 =	seq.s32 s10, $0x1;
	s10 =	sld [smem:$0x3FBA];
	_ =	sdelay $0x3  }
0x37: {  	[smem:$0x3FBA] =	sst s10  }
0x38: {  	s10 =	sld [smem:$0x3FBB]  }
0x39: {  	_ = 	snop;
	(pc) =	sbr.ind lr, $3  }
0x3a: {  	_ = 	snop  }
0x3b: {  	_ = 	snop  }
0x3c: {  	p2 =	seq.s32 s10, $0x1;
	s10 =	sld [smem:$0x3FBA]  }
0x3d: {  	_ =	shalt  }
0x3e: {  	_ =	shalt  }
0x3f: {  	_ =	shalt  }
0x40: {  	_ =	shalt  }
0x41: {  	_ =	shalt  }
0x42: {  	_ =	shalt  }
0x43: {  	_ =	shalt  }
0x44: {  	_ =	shalt  }
0x45: {  	_ =	shalt  }
0x46: {  	_ =	shalt  }
0x47: {  	_ =	shalt  }
0x48: {  	_ =	shalt  }
0x49: {  	_ =	shalt  }
0x4a: {  	_ =	shalt  }
0x4b: {  	_ =	shalt  }
0x4c: {  	_ =	shalt  }
0x4d: {  	_ =	shalt  }
0x4e: {  	_ =	shalt  }
0x4f: {  	_ =	shalt  }
0x50: {  	_ =	shalt  }
0x51: {  	_ =	shalt  }
0x52: {  	_ =	shalt  }
0x53: {  	_ =	shalt  }
0x54: {  	_ =	shalt  }
0x55: {  	_ =	shalt  }
0x56: {  	_ =	shalt  }
0x57: {  	_ =	shalt  }
0x58: {  	_ =	shalt  }
0x59: {  	_ =	shalt  }
0x5a: {  	_ =	shalt  }
0x5b: {  	_ =	shalt  }
0x5c: {  	_ =	shalt  }
0x5d: {  	_ =	shalt  }
0x5e: {  	_ =	shalt  }
0x5f: {  	_ =	shalt  }
0x60: {  	_ =	shalt  }
0x61: {  	_ =	shalt  }
0x62: {  	_ =	shalt  }
0x63: {  	_ =	shalt  }
0x64: {  	_ =	shalt  }
0x65: {  	_ =	shalt  }
0x66: {  	_ =	shalt  }
0x67: {  	_ =	shalt  }
0x68: {  	_ =	shalt  }
0x69: {  	_ =	shalt  }
0x6a: {  	_ =	shalt  }
0x6b: {  	_ =	shalt  }
0x6c: {  	_ =	shalt  }
0x6d: {  	_ =	shalt  }
0x6e: {  	_ =	shalt  }
0x6f: {  	_ =	shalt  }
0x70: {  	_ =	shalt  }
0x71: {  	_ =	shalt  }
0x72: {  	_ =	shalt  }
0x73: {  	_ =	shalt  }
0x74: {  	_ =	shalt  }
0x75: {  	_ =	shalt  }
0x76: {  	_ =	shalt  }
0x77: {  	_ =	shalt  }
0x78: {  	_ =	shalt  }
0x79: {  	_ =	shalt  }
0x7a: {  	_ =	shalt  }
0x7b: {  	_ =	shalt  }
0x7c: {  	_ =	shalt  }
0x7d: {  	_ =	shalt  }
0x7e: {  	_ =	shalt  }
0x7f: {  	_ =	shalt  }
0x80: {  	_ =	shalt  }
0x81: {  	_ =	shalt  }
0x82: {  	_ =	shalt  }
0x83: {  	_ =	shalt  }
0x84: {  	_ =	shalt  }
0x85: {  	_ =	shalt  }
0x86: {  	_ =	shalt  }
0x87: {  	_ =	shalt  }
.Lfunc_end0:
.L_simem_size_0:
called_computation_lowered:
.L_overlay_start_0:
0x88: {  	s2 =	sld [smem:$0x3FD9]  }
0x89: {  	s3 =	sld [smem:$0x3FFE];
	_ =	sdelay $0x1  }
0x8a: {  	s1 =	srdreg.scid  }
0x8b: {  	s0 =	sand.u32 $0x1, s1  }
0x8c: {  	s14 =	sshll.u32 s0, $0xA;
	s2 =	sadd.s32 s3, s2  }
0x8d: {  	s2 =	sadd.s32 s2, s14  }
0x8e: {  	[smem:$0x3FC6] =	sst s2  }
0x8f: {  	_ = 	snop  }
0x90: {  	s2 =	sld [smem:$0x3FD0];
	_ =	sdelay $0x1  }
0x91: {  	s15 =	sld [smem:$0x3FC9]  }
0x92: {  	s5 =	simm.s32 $0xA;
	s6 =	simm.s32 $0x10;
	s4 =	sld [smem:$0x3FC8]  }
0x93: {  	[smem:s6], [sflag:s5] =	dma.local [hbm:s2], $0x1  }
0x94: {  	_ =	swait.eq [sflag:s5], $0x1  }
0x95: {  	[sflag:s5] =	ssyncset.done $0x0  }
0x96: {  	[sflag:s5] =	ssyncadd.s32 $0xFFFFFFFF  }
0x97: {  	s16 =	sld [smem:$0x10];
	(tm) =	ssettm $0x1  }
0x98: {  	s17 =	sld [smem:$0x3FFB];
	_ =	sdelay $0x3  }
0x99: {  	_ =	strace s17  }
0x9a: {  	s5 =	sld [smem:$0x3FFC];
	_ =	sdelay $0x3  }
0x9b: {  	_ =	strace s5  }
0x9c: {  	s5 =	sld [smem:$0x3FFD];
	_ =	sdelay $0x3  }
0x9d: {  	_ =	strace s5  }
0x9e: {  	_ =	strace $0x8FFFFFFF  }
0x9f: {  	s18 =	sld [smem:$0x3FDB];
	_ =	sdelay $0x1  }
0xa0: {  	s19 =	simm.s32 $_scs_section_size  }
0xa1: {  	s7 =	simm.s32 $_size__tile_overlayer_lowered;
	s8 =	simm.s32 $_tile_overlayer_lowered  }
0xa2: {  	s22 =	simm.s32 $0x1BFF;
	s21 =	sshll.u32 s8, $0x1;
	s5 =	sadd.s32 s19, s18  }
0xa3: {  	s9 =	simm.s32 $0x0;
	s20 =	sshll.u32 s7, $0x1;
	s7 =	sadd.s32 s21, s5  }
0xa4: {  	[timem:s9], [sflag:s22] =	dma.local [hbm:s7], s20  }
0xa5: {  	_ =	swait.ge [sflag:s22], s20  }
0xa6: {  	s6 =	ssub.s32 $0x0, s20;
	[sflag:s22] =	ssyncset.done $0x0  }
0xa7: {  	[sflag:s22] =	ssyncadd.s32 s6;
	_ =	sdelay $0x1  }
0xa8: {  	s23 =	simm.s32 $0x1B8B  }
0xa9: {  	_ =	swait.ge [sflag:s23], $0x1  }
0xaa: {  	[sflag:s23] =	ssyncset.done $0x0  }
0xab: {  	s25 =	simm.s32 $0x1B8E;
	s24 =	sld [smem:$0x3FFE];
	[sflag:s23] =	ssyncadd.s32 $0xFFFFFFFF  }
0xac: {  	s26 =	simm.s32 $execute0_lowered;
	[smem:$0x3FD2] =	sst s25  }
0xad: {  	s7 =	sshll.u32 s26, $0x1;
	_ =	strace $0x80000046;
	[dreg:$0x1] =	wrdreg $0xFFFFFFFF  }
0xae: {  	s28 =	simm.s32 $_size_execute0_lowered;
	s5 =	sadd.s32 s5, s7;
	[dreg:$0x0] =	wrdreg $0x0  }
0xaf: {  	s7 =	sshll.u32 s28, $0x1;
	[dreg:$0x2] =	wrdreg s5  }
0xb0: {  	[dreg:$0x3] =	wrdreg s7  }
0xb1: {  	[dreg:$0x4] =	wrdreg $0xC0  }
0xb2: {  	_ =	task [dreg:s9], $0x5FFFF  }
0xb3: {  	[dreg:$0x1] =	wrdreg $0xFFFFFFFF  }
0xb4: {  	[dreg:$0x0] =	wrdreg $0x60  }
0xb5: {  	[dreg:$0x2] =	wrdreg s15  }
0xb6: {  	[dreg:$0x3] =	wrdreg s4  }
0xb7: {  	[dreg:$0x4] =	wrdreg s16  }
0xb8: {  	[dreg:$0x5] =	wrdreg s24  }
0xb9: {  	[dreg:$0x6] =	wrdreg $0x0  }
0xba: {  	[dreg:$0x7] =	wrdreg $0x9  }
0xbb: {  	_ =	task.clear_ibuf [dreg:s9], $0x8FFFF;
	_ =	strace $0x90000046  }
0xbc: {  	s29 =	simm.s32 $0x9;
	_ =	strace $0x80000048  }
0xbd: {  	_ =	swait.ge [sflag:s29], $0x1  }
0xbe: {  	[sflag:s29] =	ssyncadd.s32 $0xFFFFFFFF  }
0xbf: {  	_ =	strace $0x90000048  }
0xc0: {  	_ =	sfence  }
0xc1: {  	s30 =	sld [smem:$0x0];
	_ =	sdelay $0x2  }
0xc2: {  	s31 =	sshll.u32 s1, $0xD;
	s1 =	sshrl.u32 s1, $0x2  }
0xc3: {  	s3 =	sand.u32 $0x4000, s31;
	s1 =	sadd.s32 s1, s30  }
0xc4: {  	s0 =	sor.u32 s3, s0;
	s1 =	sshll.u32 s1, $0x11  }
0xc5: {  	s0 =	sor.u32 s1, s0  }
0xc6: {  	s0 =	sadd.s32 $0x8F2B, s0  }
0xc7: {  	[sflag:s0] =	ssyncadd.remote.s32 $0x1  }
0xc8: {  	_ =	sfence.sel $0xFFFF  }
0xc9: {  	[dreg:$0x0] =	wrdreg $0xFFFFFFFF;
	(pc) =	sbr.abs _section_cstart, $3  }
0xca: {  	[dreg:$0x1] =	wrdreg $0xFFFFFFFF  }
0xcb: {  	_ =	task.clear_ibuf [dreg:s9], $0x2FFFF;
	_ =	strace $0x9FFFFFFF  }
0xcc: {  	(tm) =	ssettm $0x7FFFFFFF  }
0xcd: {  	_ =	shalt  }
tec
execute0_lowered:
.L_overlay_start_1:
0x0: {  	(tag) =	ssettag $0x1  }
0x1: {  	s0 =	rddreg [dreg:$0x0]  }
0x2: {  	s1 =	rddreg [dreg:$0x1]  }
0x3: {  	s9 =	rddreg [dreg:$0x2]  }
0x4: {  	s5 =	rddreg [dreg:$0x3]  }
0x5: {  	s2 =	srdreg.scid;
	s3 =	rddreg [dreg:$0x4]  }
0x6: {  	s16 =	stileid.u32;
	s4 =	simm.s32 $0x0;
	s13 =	simm.s32 $0x1  }
0x7: {  	s14 =	simm.s32 $0x8080;
	s6 =	sand.u32 $0x1, s2;
	s2 =	rddreg [dreg:$0x5]  }
0x8: {  	s15 =	simm.s32 $0x80;
	s18 =	simm.s32 $0x0;
	[smem:$0x7FF] =	sst s4  }
0x9: {  	s30 =	sshll.u32 s16, $0xE;
	p0 =	sne.s32 s16, $0x0;
	s17 =	sshll.u32 s16, $0x6  }
0xa: {  	s7 =	sshll.u32 s6, $0x4;
	s10 =	ssub.s32 $0x2, s6;
	_ =	strace $0x80000047  }
0xb: {  	v0 =	vimm.f32 $0.0e+00;
	v1 =	vimm.s32 $0x0;
	v2 =	vimm.f32 $1.000000000e+00;
	s31 =	sshll.u32 s6, $0x12;
	s17 =	sor.u32 $0x1C01, s17;
	s8 =	sor.u32 s16, s7  }
0xc: {  	v3 =	vimm.s32 $0x1;
	v4 =	vimm.s32 $0x2;
	v5 =	vimm.s32 $0x3;
	s29 =	sshrl.u32 s10, $0x1;
	s16 =	simm.s32 $0x8100;
	s7 =	sshll.u32 s8, $0x8  }
0xd: {  	v6 =	vimm.s32 $0x4;
	v7 =	vimm.s32 $0x5;
	v8 =	vimm.s32 $0x6;
	s12 =	ssub.s32 s10, s29;
	s6 =	smul.u32 $0xC35, s8;
	s10 =	sor.u32 s30, s31  }
0xe: {  	v9 =	vimm.s32 $0x7;
	v10 =	vimm.s32 $0x8;
	v11 =	vimm.s32 $0x9;
	s8 =	smul.u32 $0x19, s8;
	s11 =	sadd.s32 s7, s5;
	s10 =	sshrl.u32 s10, $0x3  }
0xf: {  	v12 =	vimm.s32 $0xA;
	v13 =	vimm.s32 $0xB;
	v14 =	vimm.s32 $0xC;
	s5 =	sadd.s32 s30, s3;
	s7 =	sadd.s32 $0x40000, s3;
	s9 =	sadd.s32 s9, s10  }
0x10: {  	v15 =	vimm.s32 $0xD;
	v16 =	vimm.s32 $0xE;
	v17 =	vimm.s32 $0xF;
	s10 =	sadd.s32 $0x800, s11;
	s11 =	smax.u32 s12, $0x1;
	s12 =	simm.s32 $0x4080  }
.LBB2_1:
0x11: {  	s19 =	simm.s32 $0x0;
	s20 =	simm.s32 $0x200  }
.LBB2_2:
0x12: {  	p1 =	sne.s32 s20, $0xFE00;
	[tilespmem:s19+$0x40F0] =	vst v0  }
0x13: {  	[tilespmem:s19+$0x4080] =	vst v0  }
0x14: {  	[tilespmem:s19+$0x4090] =	vst v0  }
.Ltmp0:
0x15: {  	[tilespmem:s19+$0x40A0] =	vst v0;
	(pc) =	sbr.rel @p1 .LBB2_2-.Ltmp0, $4  }
0x16: {  	[tilespmem:s19+$0x40B0] =	vst v0  }
0x17: {  	[tilespmem:s19+$0x40C0] =	vst v0  }
0x18: {  	[tilespmem:s19+$0x40D0] =	vst v0  }
0x19: {  	[tilespmem:s19+$0x40E0] =	vst v0;
	s19 =	sshra.s32 s20, $0x2;
	s20 =	sadd.s32 $0x200, s20  }
0x1a: {  	[tilespmem:s19+$0x40F0] =	vst v0  }
0x1b: {  	[tilespmem:s19+$0x4080] =	vst v0  }
0x1c: {  	[tilespmem:s19+$0x4090] =	vst v0  }
0x1d: {  	[tilespmem:s19+$0x40A0] =	vst v0  }
0x1e: {  	[tilespmem:s19+$0x40B0] =	vst v0  }
0x1f: {  	[tilespmem:s19+$0x40C0] =	vst v0  }
0x20: {  	[tilespmem:s19+$0x40D0] =	vst v0  }
0x21: {  	[tilespmem:s19+$0x40E0] =	vst v0;
	s19 =	simm.s32 $0x40;
	s20 =	simm.s32 $0x0  }
.LBB2_4:
0x22: {  	p1 =	sne.s32 s19, $0x2000;
	[tilespmem:s20+$0x8100] =	vst v0;
	s20 =	smov.u32 s19;
	s19 =	sadd.s32 $0x40, s19  }
.Ltmp1:
0x23: {  	(pc) =	sbr.rel @p1 .LBB2_4-.Ltmp1, $2  }
0x24: {  	_ =	sdelay $0x2  }
0x25: {  	s20 =	sshra.s32 s20, $0x2  }
0x26: {  	[tilespmem:s20+$0x8100] =	vst v0  }
0x27: {  	[spmem:s5] =	stream.linear.scatter [tilespmem:s12], [sflag:$0x1], $0x4000, $0x38;
	[tilespmem:$0x8910] =	vst v63  }
0x28: {  	_ =	swait.ge [sflag:s13], $0x4000  }
0x29: {  	[sflag:s13] =	ssyncset.done $0x0  }
0x2a: {  	s19 =	simm.s32 @!p0 $0x4080;
	[sflag:s13] =	ssyncadd.s32 $0xFFFFC000  }
0x2b: {  	[spmem:s7] =	stream.linear.scatter @!p0 [tilespmem:s19], [sflag:$0x1], $0x800, $0x38;
	[tilespmem:$0x8910] =	vst v63  }
0x2c: {  	s19 =	simm.s32 @!p0 $0x1  }
0x2d: {  	_ =	swait.ge @!p0 [sflag:s19], $0x800  }
0x2e: {  	[sflag:s19] =	ssyncset.done @!p0 $0x0  }
0x2f: {  	[sflag:s19] =	ssyncadd.s32 @!p0 $0xFFFFF800  }
0x30: {  	s20 =	simm.s32 $0x0;
	s19 =	simm.s32 $0x0;
	[bflag:$0x0] =	sbarrier.arrive $0xFFFF  }
.LBB2_6:
0x31: {  	s21 =	smul.u32 $0x7D, s20;
	_ =	sdelay $0x1  }
0x32: {  	s21 =	sadd.s32 s6, s21  }
0x33: {  	s21 =	sshll.u32 s21, $0x4  }
0x34: {  	s21 =	sadd.s32 s0, s21  }
0x35: {  	[tilespmem:s12], [sflag:$0x1] =	stream.linear.gather [hbm4b:s21+s19], $0x3E80, $0x38;
	[tilespmem:$0x8910] =	vst v63  }
0x36: {  	s30 =	sadd.s32 s8, s20;
	_ =	swait.ge [sflag:s13], $0x3E80  }
0x37: {  	s21 =	sshll.u32 s30, $0x4;
	[sflag:s13] =	ssyncset.done $0x0  }
0x38: {  	s21 =	sadd.s32 s1, s21;
	[sflag:s13] =	ssyncadd.s32 $0xFFFFC180  }
0x39: {  	[tilespmem:s14], [sflag:$0x1] =	stream.linear.gather [hbm4b:s21+s19], $0x80, $0x38;
	[tilespmem:$0x8910] =	vst v63  }
0x3a: {  	_ =	swait.ge [sflag:s13], $0x80  }
0x3b: {  	[sflag:s13] =	ssyncset.done $0x0  }
0x3c: {  	[sflag:s13] =	ssyncadd.s32 $0xFFFFFF80  }
0x3d: {  	[spmem:s3] =	stream.indirect.scatter.add.f32 [tilespmem:s12], [sflag:$0x1], $0x80, s14, s15, $0xb8;
	[tilespmem:$0x8910] =	vst v63  }
0x3e: {  	_ =	swait.ge [sflag:s13], $0x4000  }
0x3f: {  	[sflag:s13] =	ssyncset.done $0x0  }
0x40: {  	s31 =	simm.s32 $0x0;
	[sflag:s13] =	ssyncadd.s32 $0xFFFFC000  }
0x41: {  	v18 =	vld [tilespmem:s31+$0x8080];
	_ =	sdelay $0x4  }
0x42: {  	v19 =	vperm.xlane v18, v1  }
0x43: {  	v20 =	vperm.xlane v18, v3  }
0x44: {  	v21 =	vperm.xlane v18, v4  }
0x45: {  	v22 =	vperm.xlane v18, v5  }
0x46: {  	v23 =	vperm.xlane v18, v6  }
0x47: {  	v24 =	vperm.xlane v18, v7  }
0x48: {  	[tilespmem:v19+s16+$0x0] =	vst.idx.add.f32.msk $0x1, v2;
	v19 =	vperm.xlane v18, v8  }
0x49: {  	[tilespmem:v20+s16+$0x0] =	vst.idx.add.f32.msk $0x1, v2;
	v20 =	vperm.xlane v18, v9  }
0x4a: {  	v59 =	vperm.xlane v18, v10;
	[tilespmem:v21+s16+$0x0] =	vst.idx.add.f32.msk $0x1, v2  }
0x4b: {  	v60 =	vperm.xlane v18, v11;
	[tilespmem:v22+s16+$0x0] =	vst.idx.add.f32.msk $0x1, v2  }
0x4c: {  	v61 =	vperm.xlane v18, v12;
	[tilespmem:v23+s16+$0x0] =	vst.idx.add.f32.msk $0x1, v2  }
0x4d: {  	v62 =	vperm.xlane v18, v13;
	[tilespmem:v24+s16+$0x0] =	vst.idx.add.f32.msk $0x1, v2  }
0x4e: {  	[tilespmem:v19+s16+$0x0] =	vst.idx.add.f32.msk $0x1, v2;
	v19 =	vperm.xlane v18, v14  }
0x4f: {  	[tilespmem:v20+s16+$0x0] =	vst.idx.add.f32.msk $0x1, v2;
	v20 =	vperm.xlane v18, v15  }
0x50: {  	v63 =	vperm.xlane v18, v16;
	[tilespmem:v59+s16+$0x0] =	vst.idx.add.f32.msk $0x1, v2  }
0x51: {  	[tilespmem:v60+s16+$0x0] =	vst.idx.add.f32.msk $0x1, v2  }
0x52: {  	v18 =	vperm.xlane v18, v17;
	[tilespmem:v61+s16+$0x0] =	vst.idx.add.f32.msk $0x1, v2  }
0x53: {  	[tilespmem:v62+s16+$0x0] =	vst.idx.add.f32.msk $0x1, v2  }
0x54: {  	[tilespmem:v19+s16+$0x0] =	vst.idx.add.f32.msk $0x1, v2  }
0x55: {  	[tilespmem:v20+s16+$0x0] =	vst.idx.add.f32.msk $0x1, v2  }
0x56: {  	s22 =	simm.s32 $0x80;
	s21 =	simm.s32 $0x40;
	[tilespmem:v63+s16+$0x0] =	vst.idx.add.f32.msk $0x1, v2  }
.LBB2_7:
0x57: {  	p1 =	sne.s32 s22, $0x1C0  }
0x58: {  	s23 =	sshra.s32 s21, $0x2;
	[tilespmem:v18+s16+$0x0] =	vst.idx.add.f32.msk $0x1, v2;
	s21 =	smov.u32 s22;
	s22 =	sadd.s32 $0x40, s22  }
0x59: {  	v18 =	vld [tilespmem:s23+$0x8080];
	_ =	sdelay $0x4  }
0x5a: {  	v19 =	vperm.xlane v18, v1  }
0x5b: {  	v20 =	vperm.xlane v18, v3  }
0x5c: {  	v21 =	vperm.xlane v18, v4  }
0x5d: {  	v22 =	vperm.xlane v18, v5  }
0x5e: {  	v23 =	vperm.xlane v18, v6  }
0x5f: {  	v24 =	vperm.xlane v18, v7  }
0x60: {  	[tilespmem:v19+s16+$0x0] =	vst.idx.add.f32.msk $0x1, v2;
	v19 =	vperm.xlane v18, v8  }
0x61: {  	[tilespmem:v20+s16+$0x0] =	vst.idx.add.f32.msk $0x1, v2;
	v20 =	vperm.xlane v18, v9  }
0x62: {  	[tilespmem:v21+s16+$0x0] =	vst.idx.add.f32.msk $0x1, v2;
	v21 =	vperm.xlane v18, v10  }
0x63: {  	[tilespmem:v22+s16+$0x0] =	vst.idx.add.f32.msk $0x1, v2;
	v22 =	vperm.xlane v18, v11  }
0x64: {  	[tilespmem:v23+s16+$0x0] =	vst.idx.add.f32.msk $0x1, v2;
	v23 =	vperm.xlane v18, v12  }
0x65: {  	[tilespmem:v24+s16+$0x0] =	vst.idx.add.f32.msk $0x1, v2;
	v24 =	vperm.xlane v18, v13  }
0x66: {  	[tilespmem:v19+s16+$0x0] =	vst.idx.add.f32.msk $0x1, v2;
	v19 =	vperm.xlane v18, v14  }
0x67: {  	[tilespmem:v20+s16+$0x0] =	vst.idx.add.f32.msk $0x1, v2;
	v20 =	vperm.xlane v18, v15  }
0x68: {  	[tilespmem:v21+s16+$0x0] =	vst.idx.add.f32.msk $0x1, v2;
	v21 =	vperm.xlane v18, v16  }
0x69: {  	v18 =	vperm.xlane v18, v17;
	[tilespmem:v22+s16+$0x0] =	vst.idx.add.f32.msk $0x1, v2  }
.Ltmp2:
0x6a: {  	[tilespmem:v23+s16+$0x0] =	vst.idx.add.f32.msk $0x1, v2;
	(pc) =	sbr.rel @p1 .LBB2_7-.Ltmp2, $4  }
0x6b: {  	[tilespmem:v24+s16+$0x0] =	vst.idx.add.f32.msk $0x1, v2  }
0x6c: {  	[tilespmem:v19+s16+$0x0] =	vst.idx.add.f32.msk $0x1, v2  }
0x6d: {  	[tilespmem:v20+s16+$0x0] =	vst.idx.add.f32.msk $0x1, v2  }
0x6e: {  	[tilespmem:v21+s16+$0x0] =	vst.idx.add.f32.msk $0x1, v2  }
0x6f: {  	_ =	sdelay $0x3  }
0x70: {  	s21 =	sshra.s32 s21, $0x2;
	[tilespmem:v18+s16+$0x0] =	vst.idx.add.f32.msk $0x1, v2  }
0x71: {  	v18 =	vld [tilespmem:s21+$0x8080];
	_ =	sdelay $0x4  }
0x72: {  	v19 =	vperm.xlane v18, v1  }
0x73: {  	v20 =	vperm.xlane v18, v3  }
0x74: {  	v21 =	vperm.xlane v18, v4  }
0x75: {  	v22 =	vperm.xlane v18, v5  }
0x76: {  	v23 =	vperm.xlane v18, v6  }
0x77: {  	v24 =	vperm.xlane v18, v7  }
0x78: {  	[tilespmem:v19+s16+$0x0] =	vst.idx.add.f32.msk $0x1, v2;
	v19 =	vperm.xlane v18, v8  }
0x79: {  	v57 =	vperm.xlane v18, v9;
	[tilespmem:v20+s16+$0x0] =	vst.idx.add.f32.msk $0x1, v2  }
0x7a: {  	v58 =	vperm.xlane v18, v10;
	[tilespmem:v21+s16+$0x0] =	vst.idx.add.f32.msk $0x1, v2  }
0x7b: {  	v59 =	vperm.xlane v18, v11;
	[tilespmem:v22+s16+$0x0] =	vst.idx.add.f32.msk $0x1, v2  }
0x7c: {  	v60 =	vperm.xlane v18, v12;
	[tilespmem:v23+s16+$0x0] =	vst.idx.add.f32.msk $0x1, v2  }
0x7d: {  	v61 =	vperm.xlane v18, v13;
	[tilespmem:v24+s16+$0x0] =	vst.idx.add.f32.msk $0x1, v2  }
0x7e: {  	[tilespmem:v19+s16+$0x0] =	vst.idx.add.f32.msk $0x1, v2;
	v19 =	vperm.xlane v18, v14  }
0x7f: {  	v62 =	vperm.xlane v18, v15;
	[tilespmem:v57+s16+$0x0] =	vst.idx.add.f32.msk $0x1, v2  }
0x80: {  	v63 =	vperm.xlane v18, v16;
	[tilespmem:v58+s16+$0x0] =	vst.idx.add.f32.msk $0x1, v2  }
0x81: {  	s20 =	sadd.s32 $0x1, s20;
	v18 =	vperm.xlane v18, v17;
	[tilespmem:v59+s16+$0x0] =	vst.idx.add.f32.msk $0x1, v2  }
0x82: {  	p1 =	sne.s32 s20, $0x19;
	[tilespmem:v60+s16+$0x0] =	vst.idx.add.f32.msk $0x1, v2  }
.Ltmp3:
0x83: {  	[tilespmem:v61+s16+$0x0] =	vst.idx.add.f32.msk $0x1, v2;
	(pc) =	sbr.rel @p1 .LBB2_6-.Ltmp3, $4  }
0x84: {  	[tilespmem:v19+s16+$0x0] =	vst.idx.add.f32.msk $0x1, v2  }
0x85: {  	[tilespmem:v62+s16+$0x0] =	vst.idx.add.f32.msk $0x1, v2  }
0x86: {  	[tilespmem:v63+s16+$0x0] =	vst.idx.add.f32.msk $0x1, v2  }
0x87: {  	[tilespmem:v18+s16+$0x0] =	vst.idx.add.f32.msk $0x1, v2  }
0x88: {  	[bflag:$0x0] =	sbarrier.arrive $0xFFFF;
	s19 =	sshrl.u32 s5, $0x3  }
0x89: {  	[hbm:s9], [sflag:s17] =	dma.local [spmem:s19], $0x800  }
0x8a: {  	s18 =	sadd.s32 $0x1, s18;
	_ =	swait.ge [sflag:s13], $0x800  }
0x8b: {  	p1 =	sne.s32 s18, s11;
	[sflag:s13] =	ssyncset.done $0x0  }
.Ltmp4:
0x8c: {  	[sflag:s13] =	ssyncadd.s32 $0xFFFFF800;
	(pc) =	sbr.rel @p1 .LBB2_1-.Ltmp4, $4  }
0x8d: {  	[hbm4b:s10+s4] =	stream.linear.scatter [tilespmem:s16], [sflag:$0x1], $0x800, $0x38;
	[tilespmem:$0x8910] =	vst v63  }
0x8e: {  	_ =	swait.ge [sflag:s13], $0x800  }
0x8f: {  	[sflag:s13] =	ssyncset.done $0x0  }
0x90: {  	[sflag:s13] =	ssyncadd.s32 $0xFFFFF800  }
0x91: {  	_ =	sfence.sel $0x180000  }
0x92: {  	[bflag:$0x0] =	sbarrier.arrive $0xFFFF  }
0x93: {  	_ =	strace $0x90000047  }
0x94: {  	s0 =	sadd.s32 @!p0 $0x100000, s2;
	[bflag:$0x2] =	sbarrier.arrive $0xFFFF  }
0x95: {  	[sflag:s0] =	ssyncadd.tile.s32 @!p0 $0x1;
	_ =	shalt  }
.Lfunc_end2:
_tile_overlayer_lowered:
.L_overlay_start_2:
0x96: {  	(tag) =	ssettag $0x2  }
0x97: {  	s0 =	rddreg [dreg:$0x0];
	s2 =	stileid.u32  }
0x98: {  	s1 =	rddreg [dreg:$0x1];
	p0 =	sne.s32 s2, $0x0  }
0x99: {  	s3 =	rddreg [dreg:$0x2];
	[bflag:$0x3] =	sbarrier.arrive $0xFFFF;
	s2 =	simm.s32 @!p0 $0x1C01  }
0x9a: {  	[timem:s3], [sflag:s2] =	dma.local @!p0 [hbm:s0], s1  }
0x9b: {  	s0 =	simm.s32 @!p0 $0x1  }
0x9c: {  	_ =	swait.ge @!p0 [sflag:s0], s1  }
0x9d: {  	s1 =	ssub.s32 @!p0 $0x0, s1;
	[sflag:s0] =	ssyncset.done @!p0 $0x0  }
0x9e: {  	[sflag:s0] =	ssyncadd.s32 @!p0 s1  }
0x9f: {  	[bflag:$0x3] =	sbarrier.arrive $0xFFFF  }
0xa0: {  	_ =	shalt  }

</sc_bundles>
